<compile_context>
chip_gen: v7x
topology: tpu7x:2x2x1
jax: 0.10.2.dev20260603
libtpu: 0.0.44.dev20260713+nightly
codegen_flags: <defaults>
</compile_context>

<pallas_src>
import functools

import jax
import jax.numpy as jnp
from jax import lax
from jax.experimental import pallas as pl
from jax.experimental.pallas import tpu as pltpu
from jax.experimental.pallas import tpu_sc as plsc

_EPS = 1e-8
_CA = 512
_RP = 832
_SC_ITEMS = 1024
_PW = _SC_ITEMS // 32
_NEG_BIG = -3.0e38


def _argmax_body(a_s_ref, a_e_ref, b_s_ref, b_e_ref, rowbase_ref,
                 bestv_ref, besti_ref, bidx0_ref):
    i = pl.program_id(0)

    @pl.when(i == 0)
    def _init():
        bestv_ref[...] = jnp.full(bestv_ref.shape, _NEG_BIG, jnp.float32)
        besti_ref[...] = jnp.zeros(besti_ref.shape, jnp.int32)

    a_s = a_s_ref[...]
    a_e = a_e_ref[...]
    b_s = b_s_ref[...]
    b_e = b_e_ref[...]
    inter = jnp.maximum(jnp.minimum(a_e, b_e) - jnp.maximum(a_s, b_s), 0.0)
    denom = (a_e - a_s) + (b_e - b_s + _EPS) - inter
    iou = inter / denom
    mx = jnp.max(iou, axis=1, keepdims=True)
    iota = lax.broadcasted_iota(jnp.int32, iou.shape, 1)
    lid = jnp.min(jnp.where(iou == mx, iota, jnp.int32(2 ** 30)),
                  axis=1, keepdims=True) + i * _CA
    upd = mx > bestv_ref[...]
    besti_ref[...] = jnp.where(upd, lid, besti_ref[...])
    bestv_ref[...] = jnp.where(upd, mx, bestv_ref[...])

    @pl.when(i == pl.num_programs(0) - 1)
    def _emit():
        bidx0_ref[...] = (rowbase_ref[...] + besti_ref[...]) * 2


def _best_anchor_indices(anchors, gt_bboxes):
    b, g = gt_bboxes.shape[0], gt_bboxes.shape[1]
    a = anchors.shape[0]
    a_pad = ((a + _CA - 1) // _CA) * _CA
    rows = b * g
    pad_a = a_pad - a
    a_s = jnp.pad(anchors[:, 0], (0, pad_a), constant_values=2.0).reshape(1, a_pad)
    a_e = jnp.pad(anchors[:, 1], (0, pad_a), constant_values=2.0).reshape(1, a_pad)
    pad_r = _RP - rows
    b_s = jnp.pad(gt_bboxes[..., 0].reshape(-1), (0, pad_r),
                  constant_values=1.0).reshape(_RP, 1)
    b_e = jnp.pad(gt_bboxes[..., 1].reshape(-1), (0, pad_r),
                  constant_values=0.0).reshape(_RP, 1)
    rowbase = jnp.pad(jnp.repeat(jnp.arange(b, dtype=jnp.int32) * a, g),
                      (0, pad_r)).reshape(_RP, 1)

    grid = a_pad // _CA
    row_spec = pl.BlockSpec((_RP, 1), lambda i: (0, 0))
    outs = pl.pallas_call(
        _argmax_body,
        grid=(grid,),
        in_specs=[
            pl.BlockSpec((1, _CA), lambda i: (0, i)),
            pl.BlockSpec((1, _CA), lambda i: (0, i)),
            row_spec, row_spec, row_spec,
        ],
        out_specs=[row_spec, row_spec, row_spec],
        out_shape=[
            jax.ShapeDtypeStruct((_RP, 1), jnp.float32),
            jax.ShapeDtypeStruct((_RP, 1), jnp.int32),
            jax.ShapeDtypeStruct((_RP, 1), jnp.int32),
        ],
    )(a_s, a_e, b_s, b_e, rowbase)
    return outs[1], outs[2]


def _dense_body(xt_ref, ag_ref, rg_ref, s0_ref, corr_ref, num_anchors):
    x = xt_ref[...].reshape(xt_ref.shape[0] * xt_ref.shape[1],
                            xt_ref.shape[2])
    ag = ag_ref[...]
    rg = rg_ref[...]
    nrows = ag.shape[1]
    chunk = 1024
    y = jnp.zeros((x.shape[0], nrows), jnp.float32)
    ssum = jnp.float32(0.0)
    for s in range(0, num_anchors, chunk):
        n = min(chunk, num_anchors - s)
        xc = x[:, s:s + n]
        ssum += jnp.sum(jnp.maximum(xc, 0.0)
                        + jnp.log1p(jnp.exp(-jnp.abs(xc))))
        ioc = lax.broadcasted_iota(jnp.int32, (n, nrows), 0) + s
        h = jnp.where(ioc == ag, 1.0, 0.0)
        y = y + lax.dot_general(
            xc.astype(jnp.bfloat16), h.astype(jnp.bfloat16),
            (((1,), (0,)), ((), ())),
            preferred_element_type=jnp.float32)
    rio = lax.broadcasted_iota(jnp.int32, (x.shape[0], nrows), 0)
    rmask = jnp.where(rio == rg, 1.0, 0.0)
    s0_ref[0, 0] = ssum
    corr_ref[0, 0] = jnp.sum(y * rmask)


def _dense_loss(scores, gt_classes, a_row):
    b, a, c = scores.shape
    xt = jnp.transpose(scores, (2, 0, 1))
    rows = b * gt_classes.shape[1]
    rg = (gt_classes.astype(jnp.int32) * b
          + jnp.arange(b, dtype=jnp.int32)[:, None]).reshape(1, rows)
    outs = pl.pallas_call(
        functools.partial(_dense_body, num_anchors=a),
        in_specs=[
            pl.BlockSpec((c, b, a), lambda: (0, 0, 0)),
            pl.BlockSpec((1, rows), lambda: (0, 0)),
            pl.BlockSpec((1, rows), lambda: (0, 0)),
        ],
        out_specs=[pl.BlockSpec(memory_space=pltpu.SMEM),
                   pl.BlockSpec(memory_space=pltpu.SMEM)],
        out_shape=[jax.ShapeDtypeStruct((1, 1), jnp.float32),
                   jax.ShapeDtypeStruct((1, 1), jnp.float32)],
    )(xt, a_row, rg)
    return outs[0][0, 0], outs[1][0, 0]


def _sc_body(bflat, bidx0, bidx1, gs, ge, keep, outr,
             b0i_v, b1i_v, gs_v, ge_v, kp_v, b0_v, b1_v, accr_v, sem):
    cid = lax.axis_index("c")
    sid = lax.axis_index("s")
    wid = sid * 2 + cid
    base = wid * _PW
    pltpu.sync_copy(bidx0.at[pl.ds(base, _PW)], b0i_v)
    pltpu.sync_copy(bidx1.at[pl.ds(base, _PW)], b1i_v)
    pltpu.sync_copy(gs.at[pl.ds(base, _PW)], gs_v)
    pltpu.sync_copy(ge.at[pl.ds(base, _PW)], ge_v)
    pltpu.sync_copy(keep.at[pl.ds(base, _PW)], kp_v)
    pltpu.async_copy(bflat.at[b0i_v], b0_v, sem).wait()
    pltpu.async_copy(bflat.at[b1i_v], b1_v, sem).wait()
    accr = jnp.zeros((16,), jnp.float32)
    for j in range(_PW // 16):
        sl = pl.ds(j * 16, 16)
        k = kp_v[sl]
        for bv, gv in ((b0_v[sl], gs_v[sl]), (b1_v[sl], ge_v[sl])):
            pred = jnp.where(gv != 0.0, bv, jnp.zeros((16,), jnp.float32))
            d = pred - gv
            ad = jnp.abs(d)
            sl1 = jnp.where(ad < 1.0, 0.5 * d * d, ad - 0.5)
            accr = accr + k * sl1
    accr_v[...] = accr
    pltpu.sync_copy(accr_v, outr.at[wid])


def _sc_regression(bboxes, bidx0, gt_bboxes):
    rows = gt_bboxes.shape[0] * gt_bboxes.shape[1]
    pad = _SC_ITEMS - rows
    bidx0_p = jnp.pad(bidx0.reshape(-1)[:rows], (0, pad))
    bidx1_p = bidx0_p + 1
    gs = jnp.pad(gt_bboxes[..., 0].reshape(-1), (0, pad))
    ge = jnp.pad(gt_bboxes[..., 1].reshape(-1), (0, pad))
    keep = jnp.pad(jnp.ones((rows,), jnp.float32), (0, pad))
    mesh = plsc.VectorSubcoreMesh(core_axis_name="c", subcore_axis_name="s")
    outr = pl.kernel(
        _sc_body,
        out_type=jax.ShapeDtypeStruct((32, 16), jnp.float32),
        mesh=mesh,
        scratch_types=[
            pltpu.VMEM((_PW,), jnp.int32),
            pltpu.VMEM((_PW,), jnp.int32),
            pltpu.VMEM((_PW,), jnp.float32),
            pltpu.VMEM((_PW,), jnp.float32),
            pltpu.VMEM((_PW,), jnp.float32),
            pltpu.VMEM((_PW,), jnp.float32),
            pltpu.VMEM((_PW,), jnp.float32),
            pltpu.VMEM((16,), jnp.float32),
            pltpu.SemaphoreType.DMA,
        ],
    )(bboxes.reshape(-1), bidx0_p, bidx1_p, gs, ge, keep)
    return jnp.sum(outr)


def kernel(scores, bboxes, gt_classes, gt_bboxes, anchors):
    rows = gt_classes.size
    besti, bidx0 = _best_anchor_indices(anchors, gt_bboxes)
    a_row = besti.reshape(-1)[:rows].reshape(1, rows)
    s0, corr_c = _dense_loss(scores, gt_classes, a_row)
    reg = _sc_regression(bboxes, bidx0, gt_bboxes)
    return s0 - corr_c + reg

# --- scband reference (transcript-rebuilt; emitter-appended) ---
"""Pipeline reference for scband-one-dobject-detection-loss-26379689132069 (READ-ONLY COPY).

The authoritative reference and input builder live on the scoring server;
editing this copy changes nothing except your own understanding.
"""

import jax, jax.numpy as jnp
import numpy as np

B, A, C, G = 16, 20000, 20, 50


def setup_inputs(seed: int = 0) -> dict:
    key = jax.random.key(seed)
    k1, k2, k3, k4, k5 = jax.random.split(key, 5)
    scores = jax.random.normal(k1, (B, A, C), dtype=jnp.float32)
    bboxes = jax.random.uniform(k2, (B, A, 2), dtype=jnp.float32)
    gt_classes = jax.random.randint(k3, (B, G), 0, C)
    gt_bboxes = jax.random.uniform(k4, (B, G, 2), dtype=jnp.float32)
    anchors = jax.random.uniform(k5, (A, 2), dtype=jnp.float32)
    return {"scores": scores, "bboxes": bboxes, "gt_classes": gt_classes,
            "gt_bboxes": gt_bboxes, "anchors": anchors}


def _iou_1d(anchors, gt_bboxes):
    # anchors: [A, 2] (start, end); gt_bboxes: [B, G, 2]
    a_s, a_e = anchors[:, 0], anchors[:, 1]            # [A]
    b_s, b_e = gt_bboxes[..., 0], gt_bboxes[..., 1]    # [B, G]
    inter = jnp.clip(jnp.minimum(a_e[None, None, :], b_e[..., None])
                     - jnp.maximum(a_s[None, None, :], b_s[..., None]), 0.0)
    union = (a_e - a_s)[None, None, :] + (b_e - b_s)[..., None] - inter
    return inter / (union + 1e-8)                      # [B, G, A]


def _bce_with_logits_sum(x, t):
    # numerically stable: max(x,0) - x*t + log1p(exp(-|x|))
    return jnp.sum(jnp.maximum(x, 0.0) - x * t + jnp.log1p(jnp.exp(-jnp.abs(x))))


def _smooth_l1_sum(pred, target):
    d = pred - target
    ad = jnp.abs(d)
    return jnp.sum(jnp.where(ad < 1.0, 0.5 * d * d, ad - 0.5))


def reference(scores, bboxes, gt_classes, gt_bboxes, anchors):
    num_anchors = anchors.shape[0]
    num_classes = scores.shape[2]
    scores = scores.reshape(-1, num_anchors, num_classes)

    # best matching anchor per gt box (argmax over IoU) -> [B, G]
    ious = _iou_1d(anchors, gt_bboxes)
    best_anchors = jnp.argmax(ious, axis=-1)

    batch_idx = jnp.broadcast_to(jnp.arange(scores.shape[0])[:, None], best_anchors.shape)

    scores_ready = jnp.zeros_like(scores)
    scores_ready = scores_ready.at[batch_idx, best_anchors, gt_classes].set(1.0)

    bboxes_ready = jnp.zeros_like(bboxes)
    bboxes_ready = bboxes_ready.at[batch_idx, best_anchors, :].set(gt_bboxes)

    mask = (bboxes_ready != 0).astype(bboxes.dtype)
    bboxes_masked = bboxes * mask

    classification_loss = _bce_with_logits_sum(scores, scores_ready)
    regression_loss = _smooth_l1_sum(bboxes_masked, bboxes_ready)
    return regression_loss + classification_loss

if __name__ == "__main__":
    import jax
    _d = setup_inputs()
    print(jax.jit(kernel)(*tuple(_d.values())))

</pallas_src>

<mosaic_0001>
#map = affine_map<(d0, d1) -> (0)>
#map1 = affine_map<(d0, d1) -> (0, 0)>
module attributes {stable_mosaic.version = 14 : i64} {
  func.func @_sc_body(%arg0: i32, %arg1: i32, %arg2: memref<640000xf32, #tpu.memory_space<hbm>>, %arg3: memref<1024xi32, #tpu.memory_space<hbm>>, %arg4: memref<1024xi32, #tpu.memory_space<hbm>>, %arg5: memref<1024xf32, #tpu.memory_space<hbm>>, %arg6: memref<1024xf32, #tpu.memory_space<hbm>>, %arg7: memref<1024xf32, #tpu.memory_space<hbm>>, %arg8: memref<32x16xf32, #tpu.memory_space<hbm>>, %arg9: memref<32xi32, #tpu.memory_space<vmem>>, %arg10: memref<32xi32, #tpu.memory_space<vmem>>, %arg11: memref<32xf32, #tpu.memory_space<vmem>>, %arg12: memref<32xf32, #tpu.memory_space<vmem>>, %arg13: memref<32xf32, #tpu.memory_space<vmem>>, %arg14: memref<32xf32, #tpu.memory_space<vmem>>, %arg15: memref<32xf32, #tpu.memory_space<vmem>>, %arg16: memref<16xf32, #tpu.memory_space<vmem>>, %arg17: memref<!tpu.dma_semaphore, #tpu.memory_space<semaphore_mem>>) attributes {dimension_semantics = [#tpu.dimension_semantics<core_parallel>, #tpu.dimension_semantics<subcore_parallel>], iteration_bounds = array<i64: 2, 16>, scalar_prefetch = 0 : i64, scratch_operands = 9 : i64, tpu.core_type = #tpu.core_type<sc_vector_subcore>, window_params = [{transform_indices = #map}, {transform_indices = #map}, {transform_indices = #map}, {transform_indices = #map}, {transform_indices = #map}, {transform_indices = #map}, {transform_indices = #map1}]} {
    %mul3A = arith.constant 2 : i32
    %mul3A_0 = arith.muli %arg1, %mul3A : i32
    %add3A = arith.addi %mul3A_0, %arg0 : i32
    %mul3A_1 = arith.constant 32 : i32
    %mul3A_2 = arith.muli %add3A, %mul3A_1 : i32
    "tpu.region"() ({
      %run_scoped3A = tpu.sem_alloc : memref<!tpu.dma_semaphore, #tpu.memory_space<semaphore_mem>>
      %dma_start3A_121 = tpu.memref_slice %arg3[%mul3A_2] : memref<1024xi32, #tpu.memory_space<hbm>> -> memref<32xi32, #tpu.memory_space<hbm>>
      %dma_start3A_122 = tpu.memref_slice %arg3[%mul3A_2] : memref<1024xi32, #tpu.memory_space<hbm>> -> memref<32xi32, #tpu.memory_space<hbm>>
      tpu.enqueue_dma source(%dma_start3A_122 : memref<32xi32, #tpu.memory_space<hbm>>) target(%arg9 : memref<32xi32, #tpu.memory_space<vmem>>) target_semaphore(%run_scoped3A : memref<!tpu.dma_semaphore, #tpu.memory_space<semaphore_mem>>)
      %dma_wait3A_123 = tpu.memref_slice %arg3[%mul3A_2] : memref<1024xi32, #tpu.memory_space<hbm>> -> memref<32xi32, #tpu.memory_space<hbm>>
      %dma_wait3A_124 = tpu.memref_slice %arg3[%mul3A_2] : memref<1024xi32, #tpu.memory_space<hbm>> -> memref<32xi32, #tpu.memory_space<hbm>>
      tpu.wait_dma2 semaphore(%run_scoped3A : memref<!tpu.dma_semaphore, #tpu.memory_space<semaphore_mem>>) src(%dma_wait3A_124 : memref<32xi32, #tpu.memory_space<hbm>>) dst(%arg9 : memref<32xi32, #tpu.memory_space<vmem>>)
      tpu.yield
    }) : () -> ()
    "tpu.region"() ({
      %run_scoped3A = tpu.sem_alloc : memref<!tpu.dma_semaphore, #tpu.memory_space<semaphore_mem>>
      %dma_start3A_121 = tpu.memref_slice %arg4[%mul3A_2] : memref<1024xi32, #tpu.memory_space<hbm>> -> memref<32xi32, #tpu.memory_space<hbm>>
      %dma_start3A_122 = tpu.memref_slice %arg4[%mul3A_2] : memref<1024xi32, #tpu.memory_space<hbm>> -> memref<32xi32, #tpu.memory_space<hbm>>
      tpu.enqueue_dma source(%dma_start3A_122 : memref<32xi32, #tpu.memory_space<hbm>>) target(%arg10 : memref<32xi32, #tpu.memory_space<vmem>>) target_semaphore(%run_scoped3A : memref<!tpu.dma_semaphore, #tpu.memory_space<semaphore_mem>>)
      %dma_wait3A_123 = tpu.memref_slice %arg4[%mul3A_2] : memref<1024xi32, #tpu.memory_space<hbm>> -> memref<32xi32, #tpu.memory_space<hbm>>
      %dma_wait3A_124 = tpu.memref_slice %arg4[%mul3A_2] : memref<1024xi32, #tpu.memory_space<hbm>> -> memref<32xi32, #tpu.memory_space<hbm>>
      tpu.wait_dma2 semaphore(%run_scoped3A : memref<!tpu.dma_semaphore, #tpu.memory_space<semaphore_mem>>) src(%dma_wait3A_124 : memref<32xi32, #tpu.memory_space<hbm>>) dst(%arg10 : memref<32xi32, #tpu.memory_space<vmem>>)
      tpu.yield
    }) : () -> ()
    "tpu.region"() ({
      %run_scoped3A = tpu.sem_alloc : memref<!tpu.dma_semaphore, #tpu.memory_space<semaphore_mem>>
      %dma_start3A_121 = tpu.memref_slice %arg5[%mul3A_2] : memref<1024xf32, #tpu.memory_space<hbm>> -> memref<32xf32, #tpu.memory_space<hbm>>
      %dma_start3A_122 = tpu.memref_slice %arg5[%mul3A_2] : memref<1024xf32, #tpu.memory_space<hbm>> -> memref<32xf32, #tpu.memory_space<hbm>>
      tpu.enqueue_dma source(%dma_start3A_122 : memref<32xf32, #tpu.memory_space<hbm>>) target(%arg11 : memref<32xf32, #tpu.memory_space<vmem>>) target_semaphore(%run_scoped3A : memref<!tpu.dma_semaphore, #tpu.memory_space<semaphore_mem>>)
      %dma_wait3A_123 = tpu.memref_slice %arg5[%mul3A_2] : memref<1024xf32, #tpu.memory_space<hbm>> -> memref<32xf32, #tpu.memory_space<hbm>>
      %dma_wait3A_124 = tpu.memref_slice %arg5[%mul3A_2] : memref<1024xf32, #tpu.memory_space<hbm>> -> memref<32xf32, #tpu.memory_space<hbm>>
      tpu.wait_dma2 semaphore(%run_scoped3A : memref<!tpu.dma_semaphore, #tpu.memory_space<semaphore_mem>>) src(%dma_wait3A_124 : memref<32xf32, #tpu.memory_space<hbm>>) dst(%arg11 : memref<32xf32, #tpu.memory_space<vmem>>)
      tpu.yield
    }) : () -> ()
    "tpu.region"() ({
      %run_scoped3A = tpu.sem_alloc : memref<!tpu.dma_semaphore, #tpu.memory_space<semaphore_mem>>
      %dma_start3A_121 = tpu.memref_slice %arg6[%mul3A_2] : memref<1024xf32, #tpu.memory_space<hbm>> -> memref<32xf32, #tpu.memory_space<hbm>>
      %dma_start3A_122 = tpu.memref_slice %arg6[%mul3A_2] : memref<1024xf32, #tpu.memory_space<hbm>> -> memref<32xf32, #tpu.memory_space<hbm>>
      tpu.enqueue_dma source(%dma_start3A_122 : memref<32xf32, #tpu.memory_space<hbm>>) target(%arg12 : memref<32xf32, #tpu.memory_space<vmem>>) target_semaphore(%run_scoped3A : memref<!tpu.dma_semaphore, #tpu.memory_space<semaphore_mem>>)
      %dma_wait3A_123 = tpu.memref_slice %arg6[%mul3A_2] : memref<1024xf32, #tpu.memory_space<hbm>> -> memref<32xf32, #tpu.memory_space<hbm>>
      %dma_wait3A_124 = tpu.memref_slice %arg6[%mul3A_2] : memref<1024xf32, #tpu.memory_space<hbm>> -> memref<32xf32, #tpu.memory_space<hbm>>
      tpu.wait_dma2 semaphore(%run_scoped3A : memref<!tpu.dma_semaphore, #tpu.memory_space<semaphore_mem>>) src(%dma_wait3A_124 : memref<32xf32, #tpu.memory_space<hbm>>) dst(%arg12 : memref<32xf32, #tpu.memory_space<vmem>>)
      tpu.yield
    }) : () -> ()
    "tpu.region"() ({
      %run_scoped3A = tpu.sem_alloc : memref<!tpu.dma_semaphore, #tpu.memory_space<semaphore_mem>>
      %dma_start3A_121 = tpu.memref_slice %arg7[%mul3A_2] : memref<1024xf32, #tpu.memory_space<hbm>> -> memref<32xf32, #tpu.memory_space<hbm>>
      %dma_start3A_122 = tpu.memref_slice %arg7[%mul3A_2] : memref<1024xf32, #tpu.memory_space<hbm>> -> memref<32xf32, #tpu.memory_space<hbm>>
      tpu.enqueue_dma source(%dma_start3A_122 : memref<32xf32, #tpu.memory_space<hbm>>) target(%arg13 : memref<32xf32, #tpu.memory_space<vmem>>) target_semaphore(%run_scoped3A : memref<!tpu.dma_semaphore, #tpu.memory_space<semaphore_mem>>)
      %dma_wait3A_123 = tpu.memref_slice %arg7[%mul3A_2] : memref<1024xf32, #tpu.memory_space<hbm>> -> memref<32xf32, #tpu.memory_space<hbm>>
      %dma_wait3A_124 = tpu.memref_slice %arg7[%mul3A_2] : memref<1024xf32, #tpu.memory_space<hbm>> -> memref<32xf32, #tpu.memory_space<hbm>>
      tpu.wait_dma2 semaphore(%run_scoped3A : memref<!tpu.dma_semaphore, #tpu.memory_space<semaphore_mem>>) src(%dma_wait3A_124 : memref<32xf32, #tpu.memory_space<hbm>>) dst(%arg13 : memref<32xf32, #tpu.memory_space<vmem>>)
      tpu.yield
    }) : () -> ()
    %dma_start3A = arith.constant 0 : i32
    %dma_start3A_3 = tpu.memref_slice %arg2[%dma_start3A] : memref<640000xf32, #tpu.memory_space<hbm>> -> memref<640000xf32, #tpu.memory_space<hbm>>
    tpu.enqueue_indirect_dma source(%dma_start3A_3 : memref<640000xf32, #tpu.memory_space<hbm>>) target(%arg14 : memref<32xf32, #tpu.memory_space<vmem>>) offsets(%arg9 : memref<32xi32, #tpu.memory_space<vmem>>) semaphore(%arg17 : memref<!tpu.dma_semaphore, #tpu.memory_space<semaphore_mem>>)
    %dma_wait3A = arith.constant 0 : i32
    %dma_wait3A_4 = tpu.memref_slice %arg2[%dma_wait3A] : memref<640000xf32, #tpu.memory_space<hbm>> -> memref<640000xf32, #tpu.memory_space<hbm>>
    tpu.wait_indirect_dma semaphore(%arg17 : memref<!tpu.dma_semaphore, #tpu.memory_space<semaphore_mem>>) src(%dma_wait3A_4 : memref<640000xf32, #tpu.memory_space<hbm>>) dst(%arg14 : memref<32xf32, #tpu.memory_space<vmem>>)
    %dma_start3A_5 = arith.constant 0 : i32
    %dma_start3A_6 = tpu.memref_slice %arg2[%dma_start3A_5] : memref<640000xf32, #tpu.memory_space<hbm>> -> memref<640000xf32, #tpu.memory_space<hbm>>
    tpu.enqueue_indirect_dma source(%dma_start3A_6 : memref<640000xf32, #tpu.memory_space<hbm>>) target(%arg15 : memref<32xf32, #tpu.memory_space<vmem>>) offsets(%arg10 : memref<32xi32, #tpu.memory_space<vmem>>) semaphore(%arg17 : memref<!tpu.dma_semaphore, #tpu.memory_space<semaphore_mem>>)
    %dma_wait3A_7 = arith.constant 0 : i32
    %dma_wait3A_8 = tpu.memref_slice %arg2[%dma_wait3A_7] : memref<640000xf32, #tpu.memory_space<hbm>> -> memref<640000xf32, #tpu.memory_space<hbm>>
    tpu.wait_indirect_dma semaphore(%arg17 : memref<!tpu.dma_semaphore, #tpu.memory_space<semaphore_mem>>) src(%dma_wait3A_8 : memref<640000xf32, #tpu.memory_space<hbm>>) dst(%arg15 : memref<32xf32, #tpu.memory_space<vmem>>)
    %broadcast_in_dim3A = arith.constant 0.000000e+00 : f32
    %broadcast_in_dim3A_9 = vector.broadcast %broadcast_in_dim3A : f32 to vector<16xf32>
    %get3A = arith.constant 0 : index
    %get3A_10 = tpu.vector_load %arg13[%get3A] {strides = array<i32>} : memref<32xf32, #tpu.memory_space<vmem>>, vector<16xf32>,
    %get3A_11 = vector.shape_cast %get3A_10 : vector<16xf32> to vector<16xf32>
    %get3A_12 = arith.constant 0 : index
    %get3A_13 = tpu.vector_load %arg14[%get3A_12] {strides = array<i32>} : memref<32xf32, #tpu.memory_space<vmem>>, vector<16xf32>,
    %get3A_14 = vector.shape_cast %get3A_13 : vector<16xf32> to vector<16xf32>
    %get3A_15 = arith.constant 0 : index
    %get3A_16 = tpu.vector_load %arg11[%get3A_15] {strides = array<i32>} : memref<32xf32, #tpu.memory_space<vmem>>, vector<16xf32>,
    %get3A_17 = vector.shape_cast %get3A_16 : vector<16xf32> to vector<16xf32>
    %get3A_18 = arith.constant 0 : index
    %get3A_19 = tpu.vector_load %arg15[%get3A_18] {strides = array<i32>} : memref<32xf32, #tpu.memory_space<vmem>>, vector<16xf32>,
    %get3A_20 = vector.shape_cast %get3A_19 : vector<16xf32> to vector<16xf32>
    %get3A_21 = arith.constant 0 : index
    %get3A_22 = tpu.vector_load %arg12[%get3A_21] {strides = array<i32>} : memref<32xf32, #tpu.memory_space<vmem>>, vector<16xf32>,
    %get3A_23 = vector.shape_cast %get3A_22 : vector<16xf32> to vector<16xf32>
    %ne3A = arith.constant 0.000000e+00 : f32
    %ne3A_24 = vector.broadcast %ne3A : f32 to vector<16xf32>
    %ne3A_25 = arith.cmpf one, %get3A_17, %ne3A_24 : vector<16xf32>
    %broadcast_in_dim3A_26 = arith.constant 0.000000e+00 : f32
    %broadcast_in_dim3A_27 = vector.broadcast %broadcast_in_dim3A_26 : f32 to vector<16xf32>
    %select_n3A = arith.select %ne3A_25, %get3A_14, %broadcast_in_dim3A_27 : vector<16xi1>, vector<16xf32>
    %sub3A = arith.subf %select_n3A, %get3A_17 : vector<16xf32>
    %abs3A = math.absf %sub3A : vector<16xf32>
    %lt3A = arith.constant 1.000000e+00 : f32
    %lt3A_28 = vector.broadcast %lt3A : f32 to vector<16xf32>
    %lt3A_29 = arith.cmpf olt, %abs3A, %lt3A_28 : vector<16xf32>
    %mul3A_30 = arith.constant 5.000000e-01 : f32
    %mul3A_31 = vector.broadcast %mul3A_30 : f32 to vector<16xf32>
    %mul3A_32 = arith.mulf %mul3A_31, %sub3A : vector<16xf32>
    %mul3A_33 = arith.mulf %mul3A_32, %sub3A : vector<16xf32>
    %sub3A_34 = arith.constant 5.000000e-01 : f32
    %sub3A_35 = vector.broadcast %sub3A_34 : f32 to vector<16xf32>
    %sub3A_36 = arith.subf %abs3A, %sub3A_35 : vector<16xf32>
    %select_n3A_37 = arith.select %lt3A_29, %mul3A_33, %sub3A_36 : vector<16xi1>, vector<16xf32>
    %mul3A_38 = arith.mulf %get3A_11, %select_n3A_37 : vector<16xf32>
    %add3A_39 = arith.addf %broadcast_in_dim3A_9, %mul3A_38 : vector<16xf32>
    %ne3A_40 = arith.constant 0.000000e+00 : f32
    %ne3A_41 = vector.broadcast %ne3A_40 : f32 to vector<16xf32>
    %ne3A_42 = arith.cmpf one, %get3A_23, %ne3A_41 : vector<16xf32>
    %broadcast_in_dim3A_43 = arith.constant 0.000000e+00 : f32
    %broadcast_in_dim3A_44 = vector.broadcast %broadcast_in_dim3A_43 : f32 to vector<16xf32>
    %select_n3A_45 = arith.select %ne3A_42, %get3A_20, %broadcast_in_dim3A_44 : vector<16xi1>, vector<16xf32>
    %sub3A_46 = arith.subf %select_n3A_45, %get3A_23 : vector<16xf32>
    %abs3A_47 = math.absf %sub3A_46 : vector<16xf32>
    %lt3A_48 = arith.constant 1.000000e+00 : f32
    %lt3A_49 = vector.broadcast %lt3A_48 : f32 to vector<16xf32>
    %lt3A_50 = arith.cmpf olt, %abs3A_47, %lt3A_49 : vector<16xf32>
    %mul3A_51 = arith.constant 5.000000e-01 : f32
    %mul3A_52 = vector.broadcast %mul3A_51 : f32 to vector<16xf32>
    %mul3A_53 = arith.mulf %mul3A_52, %sub3A_46 : vector<16xf32>
    %mul3A_54 = arith.mulf %mul3A_53, %sub3A_46 : vector<16xf32>
    %sub3A_55 = arith.constant 5.000000e-01 : f32
    %sub3A_56 = vector.broadcast %sub3A_55 : f32 to vector<16xf32>
    %sub3A_57 = arith.subf %abs3A_47, %sub3A_56 : vector<16xf32>
    %select_n3A_58 = arith.select %lt3A_50, %mul3A_54, %sub3A_57 : vector<16xi1>, vector<16xf32>
    %mul3A_59 = arith.mulf %get3A_11, %select_n3A_58 : vector<16xf32>
    %add3A_60 = arith.addf %add3A_39, %mul3A_59 : vector<16xf32>
    %get3A_61 = arith.constant 16 : index
    %get3A_62 = tpu.vector_load %arg13[%get3A_61] {strides = array<i32>} : memref<32xf32, #tpu.memory_space<vmem>>, vector<16xf32>,
    %get3A_63 = vector.shape_cast %get3A_62 : vector<16xf32> to vector<16xf32>
    %get3A_64 = arith.constant 16 : index
    %get3A_65 = tpu.vector_load %arg14[%get3A_64] {strides = array<i32>} : memref<32xf32, #tpu.memory_space<vmem>>, vector<16xf32>,
    %get3A_66 = vector.shape_cast %get3A_65 : vector<16xf32> to vector<16xf32>
    %get3A_67 = arith.constant 16 : index
    %get3A_68 = tpu.vector_load %arg11[%get3A_67] {strides = array<i32>} : memref<32xf32, #tpu.memory_space<vmem>>, vector<16xf32>,
    %get3A_69 = vector.shape_cast %get3A_68 : vector<16xf32> to vector<16xf32>
    %get3A_70 = arith.constant 16 : index
    %get3A_71 = tpu.vector_load %arg15[%get3A_70] {strides = array<i32>} : memref<32xf32, #tpu.memory_space<vmem>>, vector<16xf32>,
    %get3A_72 = vector.shape_cast %get3A_71 : vector<16xf32> to vector<16xf32>
    %get3A_73 = arith.constant 16 : index
    %get3A_74 = tpu.vector_load %arg12[%get3A_73] {strides = array<i32>} : memref<32xf32, #tpu.memory_space<vmem>>, vector<16xf32>,
    %get3A_75 = vector.shape_cast %get3A_74 : vector<16xf32> to vector<16xf32>
    %ne3A_76 = arith.constant 0.000000e+00 : f32
    %ne3A_77 = vector.broadcast %ne3A_76 : f32 to vector<16xf32>
    %ne3A_78 = arith.cmpf one, %get3A_69, %ne3A_77 : vector<16xf32>
    %broadcast_in_dim3A_79 = arith.constant 0.000000e+00 : f32
    %broadcast_in_dim3A_80 = vector.broadcast %broadcast_in_dim3A_79 : f32 to vector<16xf32>
    %select_n3A_81 = arith.select %ne3A_78, %get3A_66, %broadcast_in_dim3A_80 : vector<16xi1>, vector<16xf32>
    %sub3A_82 = arith.subf %select_n3A_81, %get3A_69 : vector<16xf32>
    %abs3A_83 = math.absf %sub3A_82 : vector<16xf32>
    %lt3A_84 = arith.constant 1.000000e+00 : f32
    %lt3A_85 = vector.broadcast %lt3A_84 : f32 to vector<16xf32>
    %lt3A_86 = arith.cmpf olt, %abs3A_83, %lt3A_85 : vector<16xf32>
    %mul3A_87 = arith.constant 5.000000e-01 : f32
    %mul3A_88 = vector.broadcast %mul3A_87 : f32 to vector<16xf32>
    %mul3A_89 = arith.mulf %mul3A_88, %sub3A_82 : vector<16xf32>
    %mul3A_90 = arith.mulf %mul3A_89, %sub3A_82 : vector<16xf32>
    %sub3A_91 = arith.constant 5.000000e-01 : f32
    %sub3A_92 = vector.broadcast %sub3A_91 : f32 to vector<16xf32>
    %sub3A_93 = arith.subf %abs3A_83, %sub3A_92 : vector<16xf32>
    %select_n3A_94 = arith.select %lt3A_86, %mul3A_90, %sub3A_93 : vector<16xi1>, vector<16xf32>
    %mul3A_95 = arith.mulf %get3A_63, %select_n3A_94 : vector<16xf32>
    %add3A_96 = arith.addf %add3A_60, %mul3A_95 : vector<16xf32>
    %ne3A_97 = arith.constant 0.000000e+00 : f32
    %ne3A_98 = vector.broadcast %ne3A_97 : f32 to vector<16xf32>
    %ne3A_99 = arith.cmpf one, %get3A_75, %ne3A_98 : vector<16xf32>
    %broadcast_in_dim3A_100 = arith.constant 0.000000e+00 : f32
    %broadcast_in_dim3A_101 = vector.broadcast %broadcast_in_dim3A_100 : f32 to vector<16xf32>
    %select_n3A_102 = arith.select %ne3A_99, %get3A_72, %broadcast_in_dim3A_101 : vector<16xi1>, vector<16xf32>
    %sub3A_103 = arith.subf %select_n3A_102, %get3A_75 : vector<16xf32>
    %abs3A_104 = math.absf %sub3A_103 : vector<16xf32>
    %lt3A_105 = arith.constant 1.000000e+00 : f32
    %lt3A_106 = vector.broadcast %lt3A_105 : f32 to vector<16xf32>
    %lt3A_107 = arith.cmpf olt, %abs3A_104, %lt3A_106 : vector<16xf32>
    %mul3A_108 = arith.constant 5.000000e-01 : f32
    %mul3A_109 = vector.broadcast %mul3A_108 : f32 to vector<16xf32>
    %mul3A_110 = arith.mulf %mul3A_109, %sub3A_103 : vector<16xf32>
    %mul3A_111 = arith.mulf %mul3A_110, %sub3A_103 : vector<16xf32>
    %sub3A_112 = arith.constant 5.000000e-01 : f32
    %sub3A_113 = vector.broadcast %sub3A_112 : f32 to vector<16xf32>
    %sub3A_114 = arith.subf %abs3A_104, %sub3A_113 : vector<16xf32>
    %select_n3A_115 = arith.select %lt3A_107, %mul3A_111, %sub3A_114 : vector<16xi1>, vector<16xf32>
    %mul3A_116 = arith.mulf %get3A_63, %select_n3A_115 : vector<16xf32>
    %add3A_117 = arith.addf %add3A_96, %mul3A_116 : vector<16xf32>
    %swap3A = arith.constant 0 : index
    %swap3A_118 = tpu.vector_load %arg16[%swap3A] {strides = array<i32>} : memref<16xf32, #tpu.memory_space<vmem>>, vector<16xf32>,
    %swap3A_119 = vector.shape_cast %swap3A_118 : vector<16xf32> to vector<16xf32>
    %swap3A_120 = vector.shape_cast %add3A_117 : vector<16xf32> to vector<16xf32>
    tpu.vector_store %arg16[%swap3A], %swap3A_120 {strides = array<i32>} : memref<16xf32, #tpu.memory_space<vmem>>, vector<16xf32>,
    "tpu.region"() ({
      %run_scoped3A = tpu.sem_alloc : memref<!tpu.dma_semaphore, #tpu.memory_space<semaphore_mem>>
      %dma_start3A_121 = arith.constant 0 : i32
      %dma_start3A_122 = tpu.memref_slice %arg8[%add3A, %dma_start3A_121] : memref<32x16xf32, #tpu.memory_space<hbm>> -> memref<1x16xf32, #tpu.memory_space<hbm>>
      %dma_start3A_123 = tpu.memref_squeeze %dma_start3A_122 : memref<1x16xf32, #tpu.memory_space<hbm>> -> memref<16xf32, #tpu.memory_space<hbm>>
      %dma_start3A_124 = arith.constant 0 : i32
      %dma_start3A_125 = tpu.memref_slice %arg8[%add3A, %dma_start3A_124] : memref<32x16xf32, #tpu.memory_space<hbm>> -> memref<1x16xf32, #tpu.memory_space<hbm>>
      %dma_start3A_126 = tpu.memref_squeeze %dma_start3A_125 : memref<1x16xf32, #tpu.memory_space<hbm>> -> memref<16xf32, #tpu.memory_space<hbm>>
      tpu.enqueue_dma source(%arg16 : memref<16xf32, #tpu.memory_space<vmem>>) target(%dma_start3A_126 : memref<16xf32, #tpu.memory_space<hbm>>) target_semaphore(%run_scoped3A : memref<!tpu.dma_semaphore, #tpu.memory_space<semaphore_mem>>)
      %dma_wait3A_127 = arith.constant 0 : i32
      %dma_wait3A_128 = tpu.memref_slice %arg8[%add3A, %dma_wait3A_127] : memref<32x16xf32, #tpu.memory_space<hbm>> -> memref<1x16xf32, #tpu.memory_space<hbm>>
      %dma_wait3A_129 = tpu.memref_squeeze %dma_wait3A_128 : memref<1x16xf32, #tpu.memory_space<hbm>> -> memref<16xf32, #tpu.memory_space<hbm>>
      %dma_wait3A_130 = arith.constant 0 : i32
      %dma_wait3A_131 = tpu.memref_slice %arg8[%add3A, %dma_wait3A_130] : memref<32x16xf32, #tpu.memory_space<hbm>> -> memref<1x16xf32, #tpu.memory_space<hbm>>
      %dma_wait3A_132 = tpu.memref_squeeze %dma_wait3A_131 : memref<1x16xf32, #tpu.memory_space<hbm>> -> memref<16xf32, #tpu.memory_space<hbm>>
      tpu.wait_dma2 semaphore(%run_scoped3A : memref<!tpu.dma_semaphore, #tpu.memory_space<semaphore_mem>>) src(%arg16 : memref<16xf32, #tpu.memory_space<vmem>>) dst(%dma_wait3A_132 : memref<16xf32, #tpu.memory_space<hbm>>)
      tpu.yield
    }) : () -> ()
    return
  }
}

module attributes {stable_mosaic.version = 14 : i64} {
  func.func @_argmax_body(%arg0: i32, %arg1: memref<1x512xf32, #tpu.memory_space<vmem>>, %arg2: memref<1x512xf32, #tpu.memory_space<vmem>>, %arg3: memref<832x1xf32, #tpu.memory_space<vmem>>, %arg4: memref<832x1xf32, #tpu.memory_space<vmem>>, %arg5: memref<832x1xi32, #tpu.memory_space<vmem>>, %arg6: memref<832x1xf32, #tpu.memory_space<vmem>>, %arg7: memref<832x1xi32, #tpu.memory_space<vmem>>, %arg8: memref<832x1xi32, #tpu.memory_space<vmem>>) attributes {dimension_semantics = [#tpu.dimension_semantics<arbitrary>], iteration_bounds = array<i64: 40>, scalar_prefetch = 0 : i64, scratch_operands = 0 : i64, tpu.core_type = #tpu.core_type<tc>, window_params = [{transform_indices = @transform_0, window_bounds = array<i64: 1, 512>}, {transform_indices = @transform_1, window_bounds = array<i64: 1, 512>}, {pipeline_mode = #tpu.pipeline_mode<synchronous>, transform_indices = @transform_2, window_bounds = array<i64: 832, 1>}, {pipeline_mode = #tpu.pipeline_mode<synchronous>, transform_indices = @transform_3, window_bounds = array<i64: 832, 1>}, {pipeline_mode = #tpu.pipeline_mode<synchronous>, transform_indices = @transform_4, window_bounds = array<i64: 832, 1>}, {pipeline_mode = #tpu.pipeline_mode<synchronous>, transform_indices = @transform_5, window_bounds = array<i64: 832, 1>}, {pipeline_mode = #tpu.pipeline_mode<synchronous>, transform_indices = @transform_6, window_bounds = array<i64: 832, 1>}, {pipeline_mode = #tpu.pipeline_mode<synchronous>, transform_indices = @transform_7, window_bounds = array<i64: 832, 1>}]} {
    %eq3A = arith.constant 0 : i32
    %eq3A_0 = arith.cmpi eq, %arg0, %eq3A : i32
    %convert_element_type3A = arith.extui %eq3A_0 : i1 to i32
    %cond3A = arith.constant 0 : i32
    %cond3A_1 = arith.cmpi ne, %convert_element_type3A, %cond3A : i32
    scf.if %cond3A_1 {
      %broadcast_in_dim3A_58 = arith.constant -3.000000e+38 : f32
      %broadcast_in_dim3A_59 = vector.broadcast %broadcast_in_dim3A_58 : f32 to vector<832x1xf32>
      %swap3A_60 = arith.constant 0 : index
      %swap3A_61 = arith.constant 0 : index
      %swap3A_62 = vector.load %arg6[%swap3A_60, %swap3A_61] : memref<832x1xf32, #tpu.memory_space<vmem>>, vector<832x1xf32>
      tpu.vector_store %arg6[%swap3A_60, %swap3A_61], %broadcast_in_dim3A_59 {strides = array<i32>} : memref<832x1xf32, #tpu.memory_space<vmem>>, vector<832x1xf32>,
      %broadcast_in_dim3A_63 = arith.constant 0 : i32
      %broadcast_in_dim3A_64 = vector.broadcast %broadcast_in_dim3A_63 : i32 to vector<832x1xi32>
      %swap3A_65 = arith.constant 0 : index
      %swap3A_66 = arith.constant 0 : index
      %swap3A_67 = vector.load %arg7[%swap3A_65, %swap3A_66] : memref<832x1xi32, #tpu.memory_space<vmem>>, vector<832x1xi32>
      tpu.vector_store %arg7[%swap3A_65, %swap3A_66], %broadcast_in_dim3A_64 {strides = array<i32>} : memref<832x1xi32, #tpu.memory_space<vmem>>, vector<832x1xi32>,
    } else {
    }
    %get3A = arith.constant 0 : index
    %get3A_2 = arith.constant 0 : index
    %get3A_3 = vector.load %arg1[%get3A, %get3A_2] : memref<1x512xf32, #tpu.memory_space<vmem>>, vector<1x512xf32>
    %get3A_4 = arith.constant 0 : index
    %get3A_5 = arith.constant 0 : index
    %get3A_6 = vector.load %arg2[%get3A_4, %get3A_5] : memref<1x512xf32, #tpu.memory_space<vmem>>, vector<1x512xf32>
    %get3A_7 = arith.constant 0 : index
    %get3A_8 = arith.constant 0 : index
    %get3A_9 = vector.load %arg3[%get3A_7, %get3A_8] : memref<832x1xf32, #tpu.memory_space<vmem>>, vector<832x1xf32>
    %get3A_10 = arith.constant 0 : index
    %get3A_11 = arith.constant 0 : index
    %get3A_12 = vector.load %arg4[%get3A_10, %get3A_11] : memref<832x1xf32, #tpu.memory_space<vmem>>, vector<832x1xf32>
    %min3A = vector.broadcast %get3A_6 : vector<1x512xf32> to vector<832x512xf32>
    %min3A_13 = vector.broadcast %get3A_12 : vector<832x1xf32> to vector<832x512xf32>
    %min3A_14 = arith.minimumf %min3A, %min3A_13 : vector<832x512xf32>
    %max3A = vector.broadcast %get3A_3 : vector<1x512xf32> to vector<832x512xf32>
    %max3A_15 = vector.broadcast %get3A_9 : vector<832x1xf32> to vector<832x512xf32>
    %max3A_16 = arith.maximumf %max3A, %max3A_15 : vector<832x512xf32>
    %sub3A = arith.subf %min3A_14, %max3A_16 : vector<832x512xf32>
    %max3A_17 = arith.constant 0.000000e+00 : f32
    %max3A_18 = vector.broadcast %max3A_17 : f32 to vector<832x512xf32>
    %max3A_19 = arith.maximumf %sub3A, %max3A_18 : vector<832x512xf32>
    %sub3A_20 = arith.subf %get3A_6, %get3A_3 : vector<1x512xf32>
    %sub3A_21 = arith.subf %get3A_12, %get3A_9 : vector<832x1xf32>
    %add3A = arith.constant 9.99999993E-9 : f32
    %add3A_22 = vector.broadcast %add3A : f32 to vector<832x1xf32>
    %add3A_23 = arith.addf %sub3A_21, %add3A_22 : vector<832x1xf32>
    %add3A_24 = vector.broadcast %sub3A_20 : vector<1x512xf32> to vector<832x512xf32>
    %add3A_25 = vector.broadcast %add3A_23 : vector<832x1xf32> to vector<832x512xf32>
    %add3A_26 = arith.addf %add3A_24, %add3A_25 : vector<832x512xf32>
    %sub3A_27 = arith.subf %add3A_26, %max3A_19 : vector<832x512xf32>
    %div3A = arith.divf %max3A_19, %sub3A_27 : vector<832x512xf32>
    %reduce_max3A = arith.constant dense<0xFF800000> : vector<832xf32>
    %reduce_max3A_28 = vector.multi_reduction <maximumf>, %div3A, %reduce_max3A [1] : vector<832x512xf32> to vector<832xf32>
    %broadcast_in_dim3A = vector.shape_cast %reduce_max3A_28 : vector<832xf32> to vector<832x1xf32>
    %iota3A = tpu.iota {dimensions = array<i32: 1>} : vector<832x512xi32>
    %eq3A_29 = vector.broadcast %broadcast_in_dim3A : vector<832x1xf32> to vector<832x512xf32>
    %eq3A_30 = arith.cmpf oeq, %div3A, %eq3A_29 : vector<832x512xf32>
    %jit3A = arith.constant 1073741824 : i32
    %broadcast_in_dim3A_31 = vector.broadcast %jit3A : i32 to vector<832x512xi32>
    %select_n3A = arith.select %eq3A_30, %iota3A, %broadcast_in_dim3A_31 : vector<832x512xi1>, vector<832x512xi32>
    %reduce_min3A = arith.constant dense<2147483647> : vector<832xi32>
    %reduce_min3A_32 = vector.multi_reduction <minsi>, %select_n3A, %reduce_min3A [1] : vector<832x512xi32> to vector<832xi32>
    %broadcast_in_dim3A_33 = vector.shape_cast %reduce_min3A_32 : vector<832xi32> to vector<832x1xi32>
    %mul3A = arith.constant 512 : i32
    %mul3A_34 = arith.muli %arg0, %mul3A : i32
    %add3A_35 = vector.broadcast %mul3A_34 : i32 to vector<832x1xi32>
    %add3A_36 = arith.addi %broadcast_in_dim3A_33, %add3A_35 : vector<832x1xi32>
    %get3A_37 = arith.constant 0 : index
    %get3A_38 = arith.constant 0 : index
    %get3A_39 = vector.load %arg6[%get3A_37, %get3A_38] : memref<832x1xf32, #tpu.memory_space<vmem>>, vector<832x1xf32>
    %gt3A = arith.cmpf ogt, %broadcast_in_dim3A, %get3A_39 : vector<832x1xf32>
    %get3A_40 = arith.constant 0 : index
    %get3A_41 = arith.constant 0 : index
    %get3A_42 = vector.load %arg7[%get3A_40, %get3A_41] : memref<832x1xi32, #tpu.memory_space<vmem>>, vector<832x1xi32>
    %select_n3A_43 = arith.select %gt3A, %add3A_36, %get3A_42 : vector<832x1xi1>, vector<832x1xi32>
    %swap3A = arith.constant 0 : index
    %swap3A_44 = arith.constant 0 : index
    %swap3A_45 = vector.load %arg7[%swap3A, %swap3A_44] : memref<832x1xi32, #tpu.memory_space<vmem>>, vector<832x1xi32>
    tpu.vector_store %arg7[%swap3A, %swap3A_44], %select_n3A_43 {strides = array<i32>} : memref<832x1xi32, #tpu.memory_space<vmem>>, vector<832x1xi32>,
    %get3A_46 = arith.constant 0 : index
    %get3A_47 = arith.constant 0 : index
    %get3A_48 = vector.load %arg6[%get3A_46, %get3A_47] : memref<832x1xf32, #tpu.memory_space<vmem>>, vector<832x1xf32>
    %select_n3A_49 = arith.select %gt3A, %broadcast_in_dim3A, %get3A_48 : vector<832x1xi1>, vector<832x1xf32>
    %swap3A_50 = arith.constant 0 : index
    %swap3A_51 = arith.constant 0 : index
    %swap3A_52 = vector.load %arg6[%swap3A_50, %swap3A_51] : memref<832x1xf32, #tpu.memory_space<vmem>>, vector<832x1xf32>
    tpu.vector_store %arg6[%swap3A_50, %swap3A_51], %select_n3A_49 {strides = array<i32>} : memref<832x1xf32, #tpu.memory_space<vmem>>, vector<832x1xf32>,
    %eq3A_53 = arith.constant 39 : i32
    %eq3A_54 = arith.cmpi eq, %arg0, %eq3A_53 : i32
    %convert_element_type3A_55 = arith.extui %eq3A_54 : i1 to i32
    %cond3A_56 = arith.constant 0 : i32
    %cond3A_57 = arith.cmpi ne, %convert_element_type3A_55, %cond3A_56 : i32
    scf.if %cond3A_57 {
      %get3A_58 = arith.constant 0 : index
      %get3A_59 = arith.constant 0 : index
      %get3A_60 = vector.load %arg5[%get3A_58, %get3A_59] : memref<832x1xi32, #tpu.memory_space<vmem>>, vector<832x1xi32>
      %get3A_61 = arith.constant 0 : index
      %get3A_62 = arith.constant 0 : index
      %get3A_63 = vector.load %arg7[%get3A_61, %get3A_62] : memref<832x1xi32, #tpu.memory_space<vmem>>, vector<832x1xi32>
      %add3A_64 = arith.addi %get3A_60, %get3A_63 : vector<832x1xi32>
      %mul3A_65 = arith.constant 2 : i32
      %mul3A_66 = vector.broadcast %mul3A_65 : i32 to vector<832x1xi32>
      %mul3A_67 = arith.muli %add3A_64, %mul3A_66 : vector<832x1xi32>
      %swap3A_68 = arith.constant 0 : index
      %swap3A_69 = arith.constant 0 : index
      %swap3A_70 = vector.load %arg8[%swap3A_68, %swap3A_69] : memref<832x1xi32, #tpu.memory_space<vmem>>, vector<832x1xi32>
      tpu.vector_store %arg8[%swap3A_68, %swap3A_69], %mul3A_67 {strides = array<i32>} : memref<832x1xi32, #tpu.memory_space<vmem>>, vector<832x1xi32>,
    } else {
    }
    return
  }
  func.func @transform_0(%arg0: i32) -> (i32, i32) {
    %c0_i32 = arith.constant 0 : i32
    %c0_i32_0 = arith.constant 0 : i32
    return %c0_i32, %arg0 : i32, i32
  }
  func.func @transform_1(%arg0: i32) -> (i32, i32) {
    %c0_i32 = arith.constant 0 : i32
    %c0_i32_0 = arith.constant 0 : i32
    return %c0_i32, %arg0 : i32, i32
  }
  func.func @transform_2(%arg0: i32) -> (i32, i32) {
    %c0_i32 = arith.constant 0 : i32
    %c0_i32_0 = arith.constant 0 : i32
    %c0_i32_1 = arith.constant 0 : i32
    return %c0_i32, %c0_i32_0 : i32, i32
  }
  func.func @transform_3(%arg0: i32) -> (i32, i32) {
    %c0_i32 = arith.constant 0 : i32
    %c0_i32_0 = arith.constant 0 : i32
    %c0_i32_1 = arith.constant 0 : i32
    return %c0_i32, %c0_i32_0 : i32, i32
  }
  func.func @transform_4(%arg0: i32) -> (i32, i32) {
    %c0_i32 = arith.constant 0 : i32
    %c0_i32_0 = arith.constant 0 : i32
    %c0_i32_1 = arith.constant 0 : i32
    return %c0_i32, %c0_i32_0 : i32, i32
  }
  func.func @transform_5(%arg0: i32) -> (i32, i32) {
    %c0_i32 = arith.constant 0 : i32
    %c0_i32_0 = arith.constant 0 : i32
    %c0_i32_1 = arith.constant 0 : i32
    return %c0_i32, %c0_i32_0 : i32, i32
  }
  func.func @transform_6(%arg0: i32) -> (i32, i32) {
    %c0_i32 = arith.constant 0 : i32
    %c0_i32_0 = arith.constant 0 : i32
    %c0_i32_1 = arith.constant 0 : i32
    return %c0_i32, %c0_i32_0 : i32, i32
  }
  func.func @transform_7(%arg0: i32) -> (i32, i32) {
    %c0_i32 = arith.constant 0 : i32
    %c0_i32_0 = arith.constant 0 : i32
    %c0_i32_1 = arith.constant 0 : i32
    return %c0_i32, %c0_i32_0 : i32, i32
  }
}

module attributes {stable_mosaic.version = 14 : i64} {
  func.func @_dense_body(%arg0: memref<20x16x20000xf32, #tpu.memory_space<vmem>>, %arg1: memref<1x800xi32, #tpu.memory_space<vmem>>, %arg2: memref<1x800xi32, #tpu.memory_space<vmem>>, %arg3: memref<1x1xf32, #tpu.memory_space<smem>>, %arg4: memref<1x1xf32, #tpu.memory_space<smem>>) attributes {dimension_semantics = [], scalar_prefetch = 0 : i64, scratch_operands = 0 : i64, tpu.core_type = #tpu.core_type<tc>} {
    %get3A = arith.constant 0 : index
    %get3A_0 = arith.constant 0 : index
    %get3A_1 = arith.constant 0 : index
    %get3A_2 = vector.load %arg0[%get3A, %get3A_0, %get3A_1] : memref<20x16x20000xf32, #tpu.memory_space<vmem>>, vector<20x16x20000xf32>
    %reshape3A = vector.shape_cast %get3A_2 : vector<20x16x20000xf32> to vector<320x20000xf32>
    %get3A_3 = arith.constant 0 : index
    %get3A_4 = arith.constant 0 : index
    %get3A_5 = vector.load %arg1[%get3A_3, %get3A_4] : memref<1x800xi32, #tpu.memory_space<vmem>>, vector<1x800xi32>
    %get3A_6 = arith.constant 0 : index
    %get3A_7 = arith.constant 0 : index
    %get3A_8 = vector.load %arg2[%get3A_6, %get3A_7] : memref<1x800xi32, #tpu.memory_space<vmem>>, vector<1x800xi32>
    %broadcast_in_dim3A = arith.constant 0.000000e+00 : f32
    %broadcast_in_dim3A_9 = vector.broadcast %broadcast_in_dim3A : f32 to vector<320x800xf32>
    %slice3A = vector.extract_strided_slice %reshape3A {offsets = [0, 0], sizes = [320, 1024], strides = [1, 1]} : vector<320x20000xf32> to vector<320x1024xf32>
    %max3A = arith.constant 0.000000e+00 : f32
    %max3A_10 = vector.broadcast %max3A : f32 to vector<320x1024xf32>
    %max3A_11 = arith.maximumf %slice3A, %max3A_10 : vector<320x1024xf32>
    %abs3A = math.absf %slice3A : vector<320x1024xf32>
    %neg3A = arith.constant 0.000000e+00 : f32
    %neg3A_12 = vector.broadcast %neg3A : f32 to vector<320x1024xf32>
    %neg3A_13 = arith.subf %neg3A_12, %abs3A : vector<320x1024xf32>
    %exp3A = math.exp %neg3A_13 : vector<320x1024xf32>
    %log1p3A = math.log1p %exp3A : vector<320x1024xf32>
    %add3A = arith.addf %max3A_11, %log1p3A : vector<320x1024xf32>
    %reduce_sum3A = vector.shape_cast %add3A : vector<320x1024xf32> to vector<1x320x1024xf32>
    %reduce_sum3A_14 = arith.constant dense<0.000000e+00> : vector<1xf32>
    %reduce_sum3A_15 = vector.multi_reduction <add>, %reduce_sum3A, %reduce_sum3A_14 [1, 2] : vector<1x320x1024xf32> to vector<1xf32>
    %reduce_sum3A_16 = vector.shape_cast %reduce_sum3A_15 : vector<1xf32> to vector<1x1x1xf32>
    %reduce_sum3A_17 = vector.extract %reduce_sum3A_16[0, 0, 0] : f32 from vector<1x1x1xf32>
    %add3A_18 = arith.constant 0.000000e+00 : f32
    %add3A_19 = arith.addf %add3A_18, %reduce_sum3A_17 : f32
    %iota3A = tpu.iota {dimensions = array<i32: 0>} : vector<1024x800xi32>
    %add3A_20 = arith.constant 0 : i32
    %add3A_21 = vector.broadcast %add3A_20 : i32 to vector<1024x800xi32>
    %add3A_22 = arith.addi %iota3A, %add3A_21 : vector<1024x800xi32>
    %eq3A = vector.broadcast %get3A_5 : vector<1x800xi32> to vector<1024x800xi32>
    %eq3A_23 = arith.cmpi eq, %add3A_22, %eq3A : vector<1024x800xi32>
    %jit3A = arith.constant 1.000000e+00 : f32
    %jit3A_24 = arith.constant 0.000000e+00 : f32
    %broadcast_in_dim3A_25 = vector.broadcast %jit3A : f32 to vector<1024x800xf32>
    %broadcast_in_dim3A_26 = vector.broadcast %jit3A_24 : f32 to vector<1024x800xf32>
    %select_n3A = arith.select %eq3A_23, %broadcast_in_dim3A_25, %broadcast_in_dim3A_26 : vector<1024x800xi1>, vector<1024x800xf32>
    %convert_element_type3A = arith.truncf %slice3A : vector<320x1024xf32> to vector<320x1024xbf16>
    %convert_element_type3A_27 = arith.truncf %select_n3A : vector<1024x800xf32> to vector<1024x800xbf16>
    %dot_general3A = arith.constant dense<0.000000e+00> : vector<320x800xf32>
    %dot_general3A_28 = tpu.matmul %convert_element_type3A, %convert_element_type3A_27, %dot_general3A {dimension_numbers = #tpu.dot_dimension_numbers<[1], [0], [0], [1], [0, 0, 1, 1], [], []>, transpose_lhs_hint = false} : vector<320x1024xbf16>, vector<1024x800xbf16>, vector<320x800xf32> -> vector<320x800xf32>
    %add3A_29 = arith.addf %broadcast_in_dim3A_9, %dot_general3A_28 : vector<320x800xf32>
    %slice3A_30 = vector.extract_strided_slice %reshape3A {offsets = [0, 1024], sizes = [320, 1024], strides = [1, 1]} : vector<320x20000xf32> to vector<320x1024xf32>
    %max3A_31 = arith.constant 0.000000e+00 : f32
    %max3A_32 = vector.broadcast %max3A_31 : f32 to vector<320x1024xf32>
    %max3A_33 = arith.maximumf %slice3A_30, %max3A_32 : vector<320x1024xf32>
    %abs3A_34 = math.absf %slice3A_30 : vector<320x1024xf32>
    %neg3A_35 = arith.constant 0.000000e+00 : f32
    %neg3A_36 = vector.broadcast %neg3A_35 : f32 to vector<320x1024xf32>
    %neg3A_37 = arith.subf %neg3A_36, %abs3A_34 : vector<320x1024xf32>
    %exp3A_38 = math.exp %neg3A_37 : vector<320x1024xf32>
    %log1p3A_39 = math.log1p %exp3A_38 : vector<320x1024xf32>
    %add3A_40 = arith.addf %max3A_33, %log1p3A_39 : vector<320x1024xf32>
    %reduce_sum3A_41 = vector.shape_cast %add3A_40 : vector<320x1024xf32> to vector<1x320x1024xf32>
    %reduce_sum3A_42 = arith.constant dense<0.000000e+00> : vector<1xf32>
    %reduce_sum3A_43 = vector.multi_reduction <add>, %reduce_sum3A_41, %reduce_sum3A_42 [1, 2] : vector<1x320x1024xf32> to vector<1xf32>
    %reduce_sum3A_44 = vector.shape_cast %reduce_sum3A_43 : vector<1xf32> to vector<1x1x1xf32>
    %reduce_sum3A_45 = vector.extract %reduce_sum3A_44[0, 0, 0] : f32 from vector<1x1x1xf32>
    %add3A_46 = arith.addf %add3A_19, %reduce_sum3A_45 : f32
    %iota3A_47 = tpu.iota {dimensions = array<i32: 0>} : vector<1024x800xi32>
    %add3A_48 = arith.constant 1024 : i32
    %add3A_49 = vector.broadcast %add3A_48 : i32 to vector<1024x800xi32>
    %add3A_50 = arith.addi %iota3A_47, %add3A_49 : vector<1024x800xi32>
    %eq3A_51 = vector.broadcast %get3A_5 : vector<1x800xi32> to vector<1024x800xi32>
    %eq3A_52 = arith.cmpi eq, %add3A_50, %eq3A_51 : vector<1024x800xi32>
    %jit3A_53 = arith.constant 1.000000e+00 : f32
    %jit3A_54 = arith.constant 0.000000e+00 : f32
    %broadcast_in_dim3A_55 = vector.broadcast %jit3A_53 : f32 to vector<1024x800xf32>
    %broadcast_in_dim3A_56 = vector.broadcast %jit3A_54 : f32 to vector<1024x800xf32>
    %select_n3A_57 = arith.select %eq3A_52, %broadcast_in_dim3A_55, %broadcast_in_dim3A_56 : vector<1024x800xi1>, vector<1024x800xf32>
    %convert_element_type3A_58 = arith.truncf %slice3A_30 : vector<320x1024xf32> to vector<320x1024xbf16>
    %convert_element_type3A_59 = arith.truncf %select_n3A_57 : vector<1024x800xf32> to vector<1024x800xbf16>
    %dot_general3A_60 = arith.constant dense<0.000000e+00> : vector<320x800xf32>
    %dot_general3A_61 = tpu.matmul %convert_element_type3A_58, %convert_element_type3A_59, %dot_general3A_60 {dimension_numbers = #tpu.dot_dimension_numbers<[1], [0], [0], [1], [0, 0, 1, 1], [], []>, transpose_lhs_hint = false} : vector<320x1024xbf16>, vector<1024x800xbf16>, vector<320x800xf32> -> vector<320x800xf32>
    %add3A_62 = arith.addf %add3A_29, %dot_general3A_61 : vector<320x800xf32>
    %slice3A_63 = vector.extract_strided_slice %reshape3A {offsets = [0, 2048], sizes = [320, 1024], strides = [1, 1]} : vector<320x20000xf32> to vector<320x1024xf32>
    %max3A_64 = arith.constant 0.000000e+00 : f32
    %max3A_65 = vector.broadcast %max3A_64 : f32 to vector<320x1024xf32>
    %max3A_66 = arith.maximumf %slice3A_63, %max3A_65 : vector<320x1024xf32>
    %abs3A_67 = math.absf %slice3A_63 : vector<320x1024xf32>
    %neg3A_68 = arith.constant 0.000000e+00 : f32
    %neg3A_69 = vector.broadcast %neg3A_68 : f32 to vector<320x1024xf32>
    %neg3A_70 = arith.subf %neg3A_69, %abs3A_67 : vector<320x1024xf32>
    %exp3A_71 = math.exp %neg3A_70 : vector<320x1024xf32>
    %log1p3A_72 = math.log1p %exp3A_71 : vector<320x1024xf32>
    %add3A_73 = arith.addf %max3A_66, %log1p3A_72 : vector<320x1024xf32>
    %reduce_sum3A_74 = vector.shape_cast %add3A_73 : vector<320x1024xf32> to vector<1x320x1024xf32>
    %reduce_sum3A_75 = arith.constant dense<0.000000e+00> : vector<1xf32>
    %reduce_sum3A_76 = vector.multi_reduction <add>, %reduce_sum3A_74, %reduce_sum3A_75 [1, 2] : vector<1x320x1024xf32> to vector<1xf32>
    %reduce_sum3A_77 = vector.shape_cast %reduce_sum3A_76 : vector<1xf32> to vector<1x1x1xf32>
    %reduce_sum3A_78 = vector.extract %reduce_sum3A_77[0, 0, 0] : f32 from vector<1x1x1xf32>
    %add3A_79 = arith.addf %add3A_46, %reduce_sum3A_78 : f32
    %iota3A_80 = tpu.iota {dimensions = array<i32: 0>} : vector<1024x800xi32>
    %add3A_81 = arith.constant 2048 : i32
    %add3A_82 = vector.broadcast %add3A_81 : i32 to vector<1024x800xi32>
    %add3A_83 = arith.addi %iota3A_80, %add3A_82 : vector<1024x800xi32>
    %eq3A_84 = vector.broadcast %get3A_5 : vector<1x800xi32> to vector<1024x800xi32>
    %eq3A_85 = arith.cmpi eq, %add3A_83, %eq3A_84 : vector<1024x800xi32>
    %jit3A_86 = arith.constant 1.000000e+00 : f32
    %jit3A_87 = arith.constant 0.000000e+00 : f32
    %broadcast_in_dim3A_88 = vector.broadcast %jit3A_86 : f32 to vector<1024x800xf32>
    %broadcast_in_dim3A_89 = vector.broadcast %jit3A_87 : f32 to vector<1024x800xf32>
    %select_n3A_90 = arith.select %eq3A_85, %broadcast_in_dim3A_88, %broadcast_in_dim3A_89 : vector<1024x800xi1>, vector<1024x800xf32>
    %convert_element_type3A_91 = arith.truncf %slice3A_63 : vector<320x1024xf32> to vector<320x1024xbf16>
    %convert_element_type3A_92 = arith.truncf %select_n3A_90 : vector<1024x800xf32> to vector<1024x800xbf16>
    %dot_general3A_93 = arith.constant dense<0.000000e+00> : vector<320x800xf32>
    %dot_general3A_94 = tpu.matmul %convert_element_type3A_91, %convert_element_type3A_92, %dot_general3A_93 {dimension_numbers = #tpu.dot_dimension_numbers<[1], [0], [0], [1], [0, 0, 1, 1], [], []>, transpose_lhs_hint = false} : vector<320x1024xbf16>, vector<1024x800xbf16>, vector<320x800xf32> -> vector<320x800xf32>
    %add3A_95 = arith.addf %add3A_62, %dot_general3A_94 : vector<320x800xf32>
    %slice3A_96 = vector.extract_strided_slice %reshape3A {offsets = [0, 3072], sizes = [320, 1024], strides = [1, 1]} : vector<320x20000xf32> to vector<320x1024xf32>
    %max3A_97 = arith.constant 0.000000e+00 : f32
    %max3A_98 = vector.broadcast %max3A_97 : f32 to vector<320x1024xf32>
    %max3A_99 = arith.maximumf %slice3A_96, %max3A_98 : vector<320x1024xf32>
    %abs3A_100 = math.absf %slice3A_96 : vector<320x1024xf32>
    %neg3A_101 = arith.constant 0.000000e+00 : f32
    %neg3A_102 = vector.broadcast %neg3A_101 : f32 to vector<320x1024xf32>
    %neg3A_103 = arith.subf %neg3A_102, %abs3A_100 : vector<320x1024xf32>
    %exp3A_104 = math.exp %neg3A_103 : vector<320x1024xf32>
    %log1p3A_105 = math.log1p %exp3A_104 : vector<320x1024xf32>
    %add3A_106 = arith.addf %max3A_99, %log1p3A_105 : vector<320x1024xf32>
    %reduce_sum3A_107 = vector.shape_cast %add3A_106 : vector<320x1024xf32> to vector<1x320x1024xf32>
    %reduce_sum3A_108 = arith.constant dense<0.000000e+00> : vector<1xf32>
    %reduce_sum3A_109 = vector.multi_reduction <add>, %reduce_sum3A_107, %reduce_sum3A_108 [1, 2] : vector<1x320x1024xf32> to vector<1xf32>
    %reduce_sum3A_110 = vector.shape_cast %reduce_sum3A_109 : vector<1xf32> to vector<1x1x1xf32>
    %reduce_sum3A_111 = vector.extract %reduce_sum3A_110[0, 0, 0] : f32 from vector<1x1x1xf32>
    %add3A_112 = arith.addf %add3A_79, %reduce_sum3A_111 : f32
    %iota3A_113 = tpu.iota {dimensions = array<i32: 0>} : vector<1024x800xi32>
    %add3A_114 = arith.constant 3072 : i32
    %add3A_115 = vector.broadcast %add3A_114 : i32 to vector<1024x800xi32>
    %add3A_116 = arith.addi %iota3A_113, %add3A_115 : vector<1024x800xi32>
    %eq3A_117 = vector.broadcast %get3A_5 : vector<1x800xi32> to vector<1024x800xi32>
    %eq3A_118 = arith.cmpi eq, %add3A_116, %eq3A_117 : vector<1024x800xi32>
    %jit3A_119 = arith.constant 1.000000e+00 : f32
    %jit3A_120 = arith.constant 0.000000e+00 : f32
    %broadcast_in_dim3A_121 = vector.broadcast %jit3A_119 : f32 to vector<1024x800xf32>
    %broadcast_in_dim3A_122 = vector.broadcast %jit3A_120 : f32 to vector<1024x800xf32>
    %select_n3A_123 = arith.select %eq3A_118, %broadcast_in_dim3A_121, %broadcast_in_dim3A_122 : vector<1024x800xi1>, vector<1024x800xf32>
    %convert_element_type3A_124 = arith.truncf %slice3A_96 : vector<320x1024xf32> to vector<320x1024xbf16>
    %convert_element_type3A_125 = arith.truncf %select_n3A_123 : vector<1024x800xf32> to vector<1024x800xbf16>
    %dot_general3A_126 = arith.constant dense<0.000000e+00> : vector<320x800xf32>
    %dot_general3A_127 = tpu.matmul %convert_element_type3A_124, %convert_element_type3A_125, %dot_general3A_126 {dimension_numbers = #tpu.dot_dimension_numbers<[1], [0], [0], [1], [0, 0, 1, 1], [], []>, transpose_lhs_hint = false} : vector<320x1024xbf16>, vector<1024x800xbf16>, vector<320x800xf32> -> vector<320x800xf32>
    %add3A_128 = arith.addf %add3A_95, %dot_general3A_127 : vector<320x800xf32>
    %slice3A_129 = vector.extract_strided_slice %reshape3A {offsets = [0, 4096], sizes = [320, 1024], strides = [1, 1]} : vector<320x20000xf32> to vector<320x1024xf32>
    %max3A_130 = arith.constant 0.000000e+00 : f32
    %max3A_131 = vector.broadcast %max3A_130 : f32 to vector<320x1024xf32>
    %max3A_132 = arith.maximumf %slice3A_129, %max3A_131 : vector<320x1024xf32>
    %abs3A_133 = math.absf %slice3A_129 : vector<320x1024xf32>
    %neg3A_134 = arith.constant 0.000000e+00 : f32
    %neg3A_135 = vector.broadcast %neg3A_134 : f32 to vector<320x1024xf32>
    %neg3A_136 = arith.subf %neg3A_135, %abs3A_133 : vector<320x1024xf32>
    %exp3A_137 = math.exp %neg3A_136 : vector<320x1024xf32>
    %log1p3A_138 = math.log1p %exp3A_137 : vector<320x1024xf32>
    %add3A_139 = arith.addf %max3A_132, %log1p3A_138 : vector<320x1024xf32>
    %reduce_sum3A_140 = vector.shape_cast %add3A_139 : vector<320x1024xf32> to vector<1x320x1024xf32>
    %reduce_sum3A_141 = arith.constant dense<0.000000e+00> : vector<1xf32>
    %reduce_sum3A_142 = vector.multi_reduction <add>, %reduce_sum3A_140, %reduce_sum3A_141 [1, 2] : vector<1x320x1024xf32> to vector<1xf32>
    %reduce_sum3A_143 = vector.shape_cast %reduce_sum3A_142 : vector<1xf32> to vector<1x1x1xf32>
    %reduce_sum3A_144 = vector.extract %reduce_sum3A_143[0, 0, 0] : f32 from vector<1x1x1xf32>
    %add3A_145 = arith.addf %add3A_112, %reduce_sum3A_144 : f32
    %iota3A_146 = tpu.iota {dimensions = array<i32: 0>} : vector<1024x800xi32>
    %add3A_147 = arith.constant 4096 : i32
    %add3A_148 = vector.broadcast %add3A_147 : i32 to vector<1024x800xi32>
    %add3A_149 = arith.addi %iota3A_146, %add3A_148 : vector<1024x800xi32>
    %eq3A_150 = vector.broadcast %get3A_5 : vector<1x800xi32> to vector<1024x800xi32>
    %eq3A_151 = arith.cmpi eq, %add3A_149, %eq3A_150 : vector<1024x800xi32>
    %jit3A_152 = arith.constant 1.000000e+00 : f32
    %jit3A_153 = arith.constant 0.000000e+00 : f32
    %broadcast_in_dim3A_154 = vector.broadcast %jit3A_152 : f32 to vector<1024x800xf32>
    %broadcast_in_dim3A_155 = vector.broadcast %jit3A_153 : f32 to vector<1024x800xf32>
    %select_n3A_156 = arith.select %eq3A_151, %broadcast_in_dim3A_154, %broadcast_in_dim3A_155 : vector<1024x800xi1>, vector<1024x800xf32>
    %convert_element_type3A_157 = arith.truncf %slice3A_129 : vector<320x1024xf32> to vector<320x1024xbf16>
    %convert_element_type3A_158 = arith.truncf %select_n3A_156 : vector<1024x800xf32> to vector<1024x800xbf16>
    %dot_general3A_159 = arith.constant dense<0.000000e+00> : vector<320x800xf32>
    %dot_general3A_160 = tpu.matmul %convert_element_type3A_157, %convert_element_type3A_158, %dot_general3A_159 {dimension_numbers = #tpu.dot_dimension_numbers<[1], [0], [0], [1], [0, 0, 1, 1], [], []>, transpose_lhs_hint = false} : vector<320x1024xbf16>, vector<1024x800xbf16>, vector<320x800xf32> -> vector<320x800xf32>
    %add3A_161 = arith.addf %add3A_128, %dot_general3A_160 : vector<320x800xf32>
    %slice3A_162 = vector.extract_strided_slice %reshape3A {offsets = [0, 5120], sizes = [320, 1024], strides = [1, 1]} : vector<320x20000xf32> to vector<320x1024xf32>
    %max3A_163 = arith.constant 0.000000e+00 : f32
    %max3A_164 = vector.broadcast %max3A_163 : f32 to vector<320x1024xf32>
    %max3A_165 = arith.maximumf %slice3A_162, %max3A_164 : vector<320x1024xf32>
    %abs3A_166 = math.absf %slice3A_162 : vector<320x1024xf32>
    %neg3A_167 = arith.constant 0.000000e+00 : f32
    %neg3A_168 = vector.broadcast %neg3A_167 : f32 to vector<320x1024xf32>
    %neg3A_169 = arith.subf %neg3A_168, %abs3A_166 : vector<320x1024xf32>
    %exp3A_170 = math.exp %neg3A_169 : vector<320x1024xf32>
    %log1p3A_171 = math.log1p %exp3A_170 : vector<320x1024xf32>
    %add3A_172 = arith.addf %max3A_165, %log1p3A_171 : vector<320x1024xf32>
    %reduce_sum3A_173 = vector.shape_cast %add3A_172 : vector<320x1024xf32> to vector<1x320x1024xf32>
    %reduce_sum3A_174 = arith.constant dense<0.000000e+00> : vector<1xf32>
    %reduce_sum3A_175 = vector.multi_reduction <add>, %reduce_sum3A_173, %reduce_sum3A_174 [1, 2] : vector<1x320x1024xf32> to vector<1xf32>
    %reduce_sum3A_176 = vector.shape_cast %reduce_sum3A_175 : vector<1xf32> to vector<1x1x1xf32>
    %reduce_sum3A_177 = vector.extract %reduce_sum3A_176[0, 0, 0] : f32 from vector<1x1x1xf32>
    %add3A_178 = arith.addf %add3A_145, %reduce_sum3A_177 : f32
    %iota3A_179 = tpu.iota {dimensions = array<i32: 0>} : vector<1024x800xi32>
    %add3A_180 = arith.constant 5120 : i32
    %add3A_181 = vector.broadcast %add3A_180 : i32 to vector<1024x800xi32>
    %add3A_182 = arith.addi %iota3A_179, %add3A_181 : vector<1024x800xi32>
    %eq3A_183 = vector.broadcast %get3A_5 : vector<1x800xi32> to vector<1024x800xi32>
    %eq3A_184 = arith.cmpi eq, %add3A_182, %eq3A_183 : vector<1024x800xi32>
    %jit3A_185 = arith.constant 1.000000e+00 : f32
    %jit3A_186 = arith.constant 0.000000e+00 : f32
    %broadcast_in_dim3A_187 = vector.broadcast %jit3A_185 : f32 to vector<1024x800xf32>
    %broadcast_in_dim3A_188 = vector.broadcast %jit3A_186 : f32 to vector<1024x800xf32>
    %select_n3A_189 = arith.select %eq3A_184, %broadcast_in_dim3A_187, %broadcast_in_dim3A_188 : vector<1024x800xi1>, vector<1024x800xf32>
    %convert_element_type3A_190 = arith.truncf %slice3A_162 : vector<320x1024xf32> to vector<320x1024xbf16>
    %convert_element_type3A_191 = arith.truncf %select_n3A_189 : vector<1024x800xf32> to vector<1024x800xbf16>
    %dot_general3A_192 = arith.constant dense<0.000000e+00> : vector<320x800xf32>
    %dot_general3A_193 = tpu.matmul %convert_element_type3A_190, %convert_element_type3A_191, %dot_general3A_192 {dimension_numbers = #tpu.dot_dimension_numbers<[1], [0], [0], [1], [0, 0, 1, 1], [], []>, transpose_lhs_hint = false} : vector<320x1024xbf16>, vector<1024x800xbf16>, vector<320x800xf32> -> vector<320x800xf32>
    %add3A_194 = arith.addf %add3A_161, %dot_general3A_193 : vector<320x800xf32>
    %slice3A_195 = vector.extract_strided_slice %reshape3A {offsets = [0, 6144], sizes = [320, 1024], strides = [1, 1]} : vector<320x20000xf32> to vector<320x1024xf32>
    %max3A_196 = arith.constant 0.000000e+00 : f32
    %max3A_197 = vector.broadcast %max3A_196 : f32 to vector<320x1024xf32>
    %max3A_198 = arith.maximumf %slice3A_195, %max3A_197 : vector<320x1024xf32>
    %abs3A_199 = math.absf %slice3A_195 : vector<320x1024xf32>
    %neg3A_200 = arith.constant 0.000000e+00 : f32
    %neg3A_201 = vector.broadcast %neg3A_200 : f32 to vector<320x1024xf32>
    %neg3A_202 = arith.subf %neg3A_201, %abs3A_199 : vector<320x1024xf32>
    %exp3A_203 = math.exp %neg3A_202 : vector<320x1024xf32>
    %log1p3A_204 = math.log1p %exp3A_203 : vector<320x1024xf32>
    %add3A_205 = arith.addf %max3A_198, %log1p3A_204 : vector<320x1024xf32>
    %reduce_sum3A_206 = vector.shape_cast %add3A_205 : vector<320x1024xf32> to vector<1x320x1024xf32>
    %reduce_sum3A_207 = arith.constant dense<0.000000e+00> : vector<1xf32>
    %reduce_sum3A_208 = vector.multi_reduction <add>, %reduce_sum3A_206, %reduce_sum3A_207 [1, 2] : vector<1x320x1024xf32> to vector<1xf32>
    %reduce_sum3A_209 = vector.shape_cast %reduce_sum3A_208 : vector<1xf32> to vector<1x1x1xf32>
    %reduce_sum3A_210 = vector.extract %reduce_sum3A_209[0, 0, 0] : f32 from vector<1x1x1xf32>
    %add3A_211 = arith.addf %add3A_178, %reduce_sum3A_210 : f32
    %iota3A_212 = tpu.iota {dimensions = array<i32: 0>} : vector<1024x800xi32>
    %add3A_213 = arith.constant 6144 : i32
    %add3A_214 = vector.broadcast %add3A_213 : i32 to vector<1024x800xi32>
    %add3A_215 = arith.addi %iota3A_212, %add3A_214 : vector<1024x800xi32>
    %eq3A_216 = vector.broadcast %get3A_5 : vector<1x800xi32> to vector<1024x800xi32>
    %eq3A_217 = arith.cmpi eq, %add3A_215, %eq3A_216 : vector<1024x800xi32>
    %jit3A_218 = arith.constant 1.000000e+00 : f32
    %jit3A_219 = arith.constant 0.000000e+00 : f32
    %broadcast_in_dim3A_220 = vector.broadcast %jit3A_218 : f32 to vector<1024x800xf32>
    %broadcast_in_dim3A_221 = vector.broadcast %jit3A_219 : f32 to vector<1024x800xf32>
    %select_n3A_222 = arith.select %eq3A_217, %broadcast_in_dim3A_220, %broadcast_in_dim3A_221 : vector<1024x800xi1>, vector<1024x800xf32>
    %convert_element_type3A_223 = arith.truncf %slice3A_195 : vector<320x1024xf32> to vector<320x1024xbf16>
    %convert_element_type3A_224 = arith.truncf %select_n3A_222 : vector<1024x800xf32> to vector<1024x800xbf16>
    %dot_general3A_225 = arith.constant dense<0.000000e+00> : vector<320x800xf32>
    %dot_general3A_226 = tpu.matmul %convert_element_type3A_223, %convert_element_type3A_224, %dot_general3A_225 {dimension_numbers = #tpu.dot_dimension_numbers<[1], [0], [0], [1], [0, 0, 1, 1], [], []>, transpose_lhs_hint = false} : vector<320x1024xbf16>, vector<1024x800xbf16>, vector<320x800xf32> -> vector<320x800xf32>
    %add3A_227 = arith.addf %add3A_194, %dot_general3A_226 : vector<320x800xf32>
    %slice3A_228 = vector.extract_strided_slice %reshape3A {offsets = [0, 7168], sizes = [320, 1024], strides = [1, 1]} : vector<320x20000xf32> to vector<320x1024xf32>
    %max3A_229 = arith.constant 0.000000e+00 : f32
    %max3A_230 = vector.broadcast %max3A_229 : f32 to vector<320x1024xf32>
    %max3A_231 = arith.maximumf %slice3A_228, %max3A_230 : vector<320x1024xf32>
    %abs3A_232 = math.absf %slice3A_228 : vector<320x1024xf32>
    %neg3A_233 = arith.constant 0.000000e+00 : f32
    %neg3A_234 = vector.broadcast %neg3A_233 : f32 to vector<320x1024xf32>
    %neg3A_235 = arith.subf %neg3A_234, %abs3A_232 : vector<320x1024xf32>
    %exp3A_236 = math.exp %neg3A_235 : vector<320x1024xf32>
    %log1p3A_237 = math.log1p %exp3A_236 : vector<320x1024xf32>
    %add3A_238 = arith.addf %max3A_231, %log1p3A_237 : vector<320x1024xf32>
    %reduce_sum3A_239 = vector.shape_cast %add3A_238 : vector<320x1024xf32> to vector<1x320x1024xf32>
    %reduce_sum3A_240 = arith.constant dense<0.000000e+00> : vector<1xf32>
    %reduce_sum3A_241 = vector.multi_reduction <add>, %reduce_sum3A_239, %reduce_sum3A_240 [1, 2] : vector<1x320x1024xf32> to vector<1xf32>
    %reduce_sum3A_242 = vector.shape_cast %reduce_sum3A_241 : vector<1xf32> to vector<1x1x1xf32>
    %reduce_sum3A_243 = vector.extract %reduce_sum3A_242[0, 0, 0] : f32 from vector<1x1x1xf32>
    %add3A_244 = arith.addf %add3A_211, %reduce_sum3A_243 : f32
    %iota3A_245 = tpu.iota {dimensions = array<i32: 0>} : vector<1024x800xi32>
    %add3A_246 = arith.constant 7168 : i32
    %add3A_247 = vector.broadcast %add3A_246 : i32 to vector<1024x800xi32>
    %add3A_248 = arith.addi %iota3A_245, %add3A_247 : vector<1024x800xi32>
    %eq3A_249 = vector.broadcast %get3A_5 : vector<1x800xi32> to vector<1024x800xi32>
    %eq3A_250 = arith.cmpi eq, %add3A_248, %eq3A_249 : vector<1024x800xi32>
    %jit3A_251 = arith.constant 1.000000e+00 : f32
    %jit3A_252 = arith.constant 0.000000e+00 : f32
    %broadcast_in_dim3A_253 = vector.broadcast %jit3A_251 : f32 to vector<1024x800xf32>
    %broadcast_in_dim3A_254 = vector.broadcast %jit3A_252 : f32 to vector<1024x800xf32>
    %select_n3A_255 = arith.select %eq3A_250, %broadcast_in_dim3A_253, %broadcast_in_dim3A_254 : vector<1024x800xi1>, vector<1024x800xf32>
    %convert_element_type3A_256 = arith.truncf %slice3A_228 : vector<320x1024xf32> to vector<320x1024xbf16>
    %convert_element_type3A_257 = arith.truncf %select_n3A_255 : vector<1024x800xf32> to vector<1024x800xbf16>
    %dot_general3A_258 = arith.constant dense<0.000000e+00> : vector<320x800xf32>
    %dot_general3A_259 = tpu.matmul %convert_element_type3A_256, %convert_element_type3A_257, %dot_general3A_258 {dimension_numbers = #tpu.dot_dimension_numbers<[1], [0], [0], [1], [0, 0, 1, 1], [], []>, transpose_lhs_hint = false} : vector<320x1024xbf16>, vector<1024x800xbf16>, vector<320x800xf32> -> vector<320x800xf32>
    %add3A_260 = arith.addf %add3A_227, %dot_general3A_259 : vector<320x800xf32>
    %slice3A_261 = vector.extract_strided_slice %reshape3A {offsets = [0, 8192], sizes = [320, 1024], strides = [1, 1]} : vector<320x20000xf32> to vector<320x1024xf32>
    %max3A_262 = arith.constant 0.000000e+00 : f32
    %max3A_263 = vector.broadcast %max3A_262 : f32 to vector<320x1024xf32>
    %max3A_264 = arith.maximumf %slice3A_261, %max3A_263 : vector<320x1024xf32>
    %abs3A_265 = math.absf %slice3A_261 : vector<320x1024xf32>
    %neg3A_266 = arith.constant 0.000000e+00 : f32
    %neg3A_267 = vector.broadcast %neg3A_266 : f32 to vector<320x1024xf32>
    %neg3A_268 = arith.subf %neg3A_267, %abs3A_265 : vector<320x1024xf32>
    %exp3A_269 = math.exp %neg3A_268 : vector<320x1024xf32>
    %log1p3A_270 = math.log1p %exp3A_269 : vector<320x1024xf32>
    %add3A_271 = arith.addf %max3A_264, %log1p3A_270 : vector<320x1024xf32>
    %reduce_sum3A_272 = vector.shape_cast %add3A_271 : vector<320x1024xf32> to vector<1x320x1024xf32>
    %reduce_sum3A_273 = arith.constant dense<0.000000e+00> : vector<1xf32>
    %reduce_sum3A_274 = vector.multi_reduction <add>, %reduce_sum3A_272, %reduce_sum3A_273 [1, 2] : vector<1x320x1024xf32> to vector<1xf32>
    %reduce_sum3A_275 = vector.shape_cast %reduce_sum3A_274 : vector<1xf32> to vector<1x1x1xf32>
    %reduce_sum3A_276 = vector.extract %reduce_sum3A_275[0, 0, 0] : f32 from vector<1x1x1xf32>
    %add3A_277 = arith.addf %add3A_244, %reduce_sum3A_276 : f32
    %iota3A_278 = tpu.iota {dimensions = array<i32: 0>} : vector<1024x800xi32>
    %add3A_279 = arith.constant 8192 : i32
    %add3A_280 = vector.broadcast %add3A_279 : i32 to vector<1024x800xi32>
    %add3A_281 = arith.addi %iota3A_278, %add3A_280 : vector<1024x800xi32>
    %eq3A_282 = vector.broadcast %get3A_5 : vector<1x800xi32> to vector<1024x800xi32>
    %eq3A_283 = arith.cmpi eq, %add3A_281, %eq3A_282 : vector<1024x800xi32>
    %jit3A_284 = arith.constant 1.000000e+00 : f32
    %jit3A_285 = arith.constant 0.000000e+00 : f32
    %broadcast_in_dim3A_286 = vector.broadcast %jit3A_284 : f32 to vector<1024x800xf32>
    %broadcast_in_dim3A_287 = vector.broadcast %jit3A_285 : f32 to vector<1024x800xf32>
    %select_n3A_288 = arith.select %eq3A_283, %broadcast_in_dim3A_286, %broadcast_in_dim3A_287 : vector<1024x800xi1>, vector<1024x800xf32>
    %convert_element_type3A_289 = arith.truncf %slice3A_261 : vector<320x1024xf32> to vector<320x1024xbf16>
    %convert_element_type3A_290 = arith.truncf %select_n3A_288 : vector<1024x800xf32> to vector<1024x800xbf16>
    %dot_general3A_291 = arith.constant dense<0.000000e+00> : vector<320x800xf32>
    %dot_general3A_292 = tpu.matmul %convert_element_type3A_289, %convert_element_type3A_290, %dot_general3A_291 {dimension_numbers = #tpu.dot_dimension_numbers<[1], [0], [0], [1], [0, 0, 1, 1], [], []>, transpose_lhs_hint = false} : vector<320x1024xbf16>, vector<1024x800xbf16>, vector<320x800xf32> -> vector<320x800xf32>
    %add3A_293 = arith.addf %add3A_260, %dot_general3A_292 : vector<320x800xf32>
    %slice3A_294 = vector.extract_strided_slice %reshape3A {offsets = [0, 9216], sizes = [320, 1024], strides = [1, 1]} : vector<320x20000xf32> to vector<320x1024xf32>
    %max3A_295 = arith.constant 0.000000e+00 : f32
    %max3A_296 = vector.broadcast %max3A_295 : f32 to vector<320x1024xf32>
    %max3A_297 = arith.maximumf %slice3A_294, %max3A_296 : vector<320x1024xf32>
    %abs3A_298 = math.absf %slice3A_294 : vector<320x1024xf32>
    %neg3A_299 = arith.constant 0.000000e+00 : f32
    %neg3A_300 = vector.broadcast %neg3A_299 : f32 to vector<320x1024xf32>
    %neg3A_301 = arith.subf %neg3A_300, %abs3A_298 : vector<320x1024xf32>
    %exp3A_302 = math.exp %neg3A_301 : vector<320x1024xf32>
    %log1p3A_303 = math.log1p %exp3A_302 : vector<320x1024xf32>
    %add3A_304 = arith.addf %max3A_297, %log1p3A_303 : vector<320x1024xf32>
    %reduce_sum3A_305 = vector.shape_cast %add3A_304 : vector<320x1024xf32> to vector<1x320x1024xf32>
    %reduce_sum3A_306 = arith.constant dense<0.000000e+00> : vector<1xf32>
    %reduce_sum3A_307 = vector.multi_reduction <add>, %reduce_sum3A_305, %reduce_sum3A_306 [1, 2] : vector<1x320x1024xf32> to vector<1xf32>
    %reduce_sum3A_308 = vector.shape_cast %reduce_sum3A_307 : vector<1xf32> to vector<1x1x1xf32>
    %reduce_sum3A_309 = vector.extract %reduce_sum3A_308[0, 0, 0] : f32 from vector<1x1x1xf32>
    %add3A_310 = arith.addf %add3A_277, %reduce_sum3A_309 : f32
    %iota3A_311 = tpu.iota {dimensions = array<i32: 0>} : vector<1024x800xi32>
    %add3A_312 = arith.constant 9216 : i32
    %add3A_313 = vector.broadcast %add3A_312 : i32 to vector<1024x800xi32>
    %add3A_314 = arith.addi %iota3A_311, %add3A_313 : vector<1024x800xi32>
    %eq3A_315 = vector.broadcast %get3A_5 : vector<1x800xi32> to vector<1024x800xi32>
    %eq3A_316 = arith.cmpi eq, %add3A_314, %eq3A_315 : vector<1024x800xi32>
    %jit3A_317 = arith.constant 1.000000e+00 : f32
    %jit3A_318 = arith.constant 0.000000e+00 : f32
    %broadcast_in_dim3A_319 = vector.broadcast %jit3A_317 : f32 to vector<1024x800xf32>
    %broadcast_in_dim3A_320 = vector.broadcast %jit3A_318 : f32 to vector<1024x800xf32>
    %select_n3A_321 = arith.select %eq3A_316, %broadcast_in_dim3A_319, %broadcast_in_dim3A_320 : vector<1024x800xi1>, vector<1024x800xf32>
    %convert_element_type3A_322 = arith.truncf %slice3A_294 : vector<320x1024xf32> to vector<320x1024xbf16>
    %convert_element_type3A_323 = arith.truncf %select_n3A_321 : vector<1024x800xf32> to vector<1024x800xbf16>
    %dot_general3A_324 = arith.constant dense<0.000000e+00> : vector<320x800xf32>
    %dot_general3A_325 = tpu.matmul %convert_element_type3A_322, %convert_element_type3A_323, %dot_general3A_324 {dimension_numbers = #tpu.dot_dimension_numbers<[1], [0], [0], [1], [0, 0, 1, 1], [], []>, transpose_lhs_hint = false} : vector<320x1024xbf16>, vector<1024x800xbf16>, vector<320x800xf32> -> vector<320x800xf32>
    %add3A_326 = arith.addf %add3A_293, %dot_general3A_325 : vector<320x800xf32>
    %slice3A_327 = vector.extract_strided_slice %reshape3A {offsets = [0, 10240], sizes = [320, 1024], strides = [1, 1]} : vector<320x20000xf32> to vector<320x1024xf32>
    %max3A_328 = arith.constant 0.000000e+00 : f32
    %max3A_329 = vector.broadcast %max3A_328 : f32 to vector<320x1024xf32>
    %max3A_330 = arith.maximumf %slice3A_327, %max3A_329 : vector<320x1024xf32>
    %abs3A_331 = math.absf %slice3A_327 : vector<320x1024xf32>
    %neg3A_332 = arith.constant 0.000000e+00 : f32
    %neg3A_333 = vector.broadcast %neg3A_332 : f32 to vector<320x1024xf32>
    %neg3A_334 = arith.subf %neg3A_333, %abs3A_331 : vector<320x1024xf32>
    %exp3A_335 = math.exp %neg3A_334 : vector<320x1024xf32>
    %log1p3A_336 = math.log1p %exp3A_335 : vector<320x1024xf32>
    %add3A_337 = arith.addf %max3A_330, %log1p3A_336 : vector<320x1024xf32>
    %reduce_sum3A_338 = vector.shape_cast %add3A_337 : vector<320x1024xf32> to vector<1x320x1024xf32>
    %reduce_sum3A_339 = arith.constant dense<0.000000e+00> : vector<1xf32>
    %reduce_sum3A_340 = vector.multi_reduction <add>, %reduce_sum3A_338, %reduce_sum3A_339 [1, 2] : vector<1x320x1024xf32> to vector<1xf32>
    %reduce_sum3A_341 = vector.shape_cast %reduce_sum3A_340 : vector<1xf32> to vector<1x1x1xf32>
    %reduce_sum3A_342 = vector.extract %reduce_sum3A_341[0, 0, 0] : f32 from vector<1x1x1xf32>
    %add3A_343 = arith.addf %add3A_310, %reduce_sum3A_342 : f32
    %iota3A_344 = tpu.iota {dimensions = array<i32: 0>} : vector<1024x800xi32>
    %add3A_345 = arith.constant 10240 : i32
    %add3A_346 = vector.broadcast %add3A_345 : i32 to vector<1024x800xi32>
    %add3A_347 = arith.addi %iota3A_344, %add3A_346 : vector<1024x800xi32>
    %eq3A_348 = vector.broadcast %get3A_5 : vector<1x800xi32> to vector<1024x800xi32>
    %eq3A_349 = arith.cmpi eq, %add3A_347, %eq3A_348 : vector<1024x800xi32>
    %jit3A_350 = arith.constant 1.000000e+00 : f32
    %jit3A_351 = arith.constant 0.000000e+00 : f32
    %broadcast_in_dim3A_352 = vector.broadcast %jit3A_350 : f32 to vector<1024x800xf32>
    %broadcast_in_dim3A_353 = vector.broadcast %jit3A_351 : f32 to vector<1024x800xf32>
    %select_n3A_354 = arith.select %eq3A_349, %broadcast_in_dim3A_352, %broadcast_in_dim3A_353 : vector<1024x800xi1>, vector<1024x800xf32>
    %convert_element_type3A_355 = arith.truncf %slice3A_327 : vector<320x1024xf32> to vector<320x1024xbf16>
    %convert_element_type3A_356 = arith.truncf %select_n3A_354 : vector<1024x800xf32> to vector<1024x800xbf16>
    %dot_general3A_357 = arith.constant dense<0.000000e+00> : vector<320x800xf32>
    %dot_general3A_358 = tpu.matmul %convert_element_type3A_355, %convert_element_type3A_356, %dot_general3A_357 {dimension_numbers = #tpu.dot_dimension_numbers<[1], [0], [0], [1], [0, 0, 1, 1], [], []>, transpose_lhs_hint = false} : vector<320x1024xbf16>, vector<1024x800xbf16>, vector<320x800xf32> -> vector<320x800xf32>
    %add3A_359 = arith.addf %add3A_326, %dot_general3A_358 : vector<320x800xf32>
    %slice3A_360 = vector.extract_strided_slice %reshape3A {offsets = [0, 11264], sizes = [320, 1024], strides = [1, 1]} : vector<320x20000xf32> to vector<320x1024xf32>
    %max3A_361 = arith.constant 0.000000e+00 : f32
    %max3A_362 = vector.broadcast %max3A_361 : f32 to vector<320x1024xf32>
    %max3A_363 = arith.maximumf %slice3A_360, %max3A_362 : vector<320x1024xf32>
    %abs3A_364 = math.absf %slice3A_360 : vector<320x1024xf32>
    %neg3A_365 = arith.constant 0.000000e+00 : f32
    %neg3A_366 = vector.broadcast %neg3A_365 : f32 to vector<320x1024xf32>
    %neg3A_367 = arith.subf %neg3A_366, %abs3A_364 : vector<320x1024xf32>
    %exp3A_368 = math.exp %neg3A_367 : vector<320x1024xf32>
    %log1p3A_369 = math.log1p %exp3A_368 : vector<320x1024xf32>
    %add3A_370 = arith.addf %max3A_363, %log1p3A_369 : vector<320x1024xf32>
    %reduce_sum3A_371 = vector.shape_cast %add3A_370 : vector<320x1024xf32> to vector<1x320x1024xf32>
    %reduce_sum3A_372 = arith.constant dense<0.000000e+00> : vector<1xf32>
    %reduce_sum3A_373 = vector.multi_reduction <add>, %reduce_sum3A_371, %reduce_sum3A_372 [1, 2] : vector<1x320x1024xf32> to vector<1xf32>
    %reduce_sum3A_374 = vector.shape_cast %reduce_sum3A_373 : vector<1xf32> to vector<1x1x1xf32>
    %reduce_sum3A_375 = vector.extract %reduce_sum3A_374[0, 0, 0] : f32 from vector<1x1x1xf32>
    %add3A_376 = arith.addf %add3A_343, %reduce_sum3A_375 : f32
    %iota3A_377 = tpu.iota {dimensions = array<i32: 0>} : vector<1024x800xi32>
    %add3A_378 = arith.constant 11264 : i32
    %add3A_379 = vector.broadcast %add3A_378 : i32 to vector<1024x800xi32>
    %add3A_380 = arith.addi %iota3A_377, %add3A_379 : vector<1024x800xi32>
    %eq3A_381 = vector.broadcast %get3A_5 : vector<1x800xi32> to vector<1024x800xi32>
    %eq3A_382 = arith.cmpi eq, %add3A_380, %eq3A_381 : vector<1024x800xi32>
    %jit3A_383 = arith.constant 1.000000e+00 : f32
    %jit3A_384 = arith.constant 0.000000e+00 : f32
    %broadcast_in_dim3A_385 = vector.broadcast %jit3A_383 : f32 to vector<1024x800xf32>
    %broadcast_in_dim3A_386 = vector.broadcast %jit3A_384 : f32 to vector<1024x800xf32>
    %select_n3A_387 = arith.select %eq3A_382, %broadcast_in_dim3A_385, %broadcast_in_dim3A_386 : vector<1024x800xi1>, vector<1024x800xf32>
    %convert_element_type3A_388 = arith.truncf %slice3A_360 : vector<320x1024xf32> to vector<320x1024xbf16>
    %convert_element_type3A_389 = arith.truncf %select_n3A_387 : vector<1024x800xf32> to vector<1024x800xbf16>
    %dot_general3A_390 = arith.constant dense<0.000000e+00> : vector<320x800xf32>
    %dot_general3A_391 = tpu.matmul %convert_element_type3A_388, %convert_element_type3A_389, %dot_general3A_390 {dimension_numbers = #tpu.dot_dimension_numbers<[1], [0], [0], [1], [0, 0, 1, 1], [], []>, transpose_lhs_hint = false} : vector<320x1024xbf16>, vector<1024x800xbf16>, vector<320x800xf32> -> vector<320x800xf32>
    %add3A_392 = arith.addf %add3A_359, %dot_general3A_391 : vector<320x800xf32>
    %slice3A_393 = vector.extract_strided_slice %reshape3A {offsets = [0, 12288], sizes = [320, 1024], strides = [1, 1]} : vector<320x20000xf32> to vector<320x1024xf32>
    %max3A_394 = arith.constant 0.000000e+00 : f32
    %max3A_395 = vector.broadcast %max3A_394 : f32 to vector<320x1024xf32>
    %max3A_396 = arith.maximumf %slice3A_393, %max3A_395 : vector<320x1024xf32>
    %abs3A_397 = math.absf %slice3A_393 : vector<320x1024xf32>
    %neg3A_398 = arith.constant 0.000000e+00 : f32
    %neg3A_399 = vector.broadcast %neg3A_398 : f32 to vector<320x1024xf32>
    %neg3A_400 = arith.subf %neg3A_399, %abs3A_397 : vector<320x1024xf32>
    %exp3A_401 = math.exp %neg3A_400 : vector<320x1024xf32>
    %log1p3A_402 = math.log1p %exp3A_401 : vector<320x1024xf32>
    %add3A_403 = arith.addf %max3A_396, %log1p3A_402 : vector<320x1024xf32>
    %reduce_sum3A_404 = vector.shape_cast %add3A_403 : vector<320x1024xf32> to vector<1x320x1024xf32>
    %reduce_sum3A_405 = arith.constant dense<0.000000e+00> : vector<1xf32>
    %reduce_sum3A_406 = vector.multi_reduction <add>, %reduce_sum3A_404, %reduce_sum3A_405 [1, 2] : vector<1x320x1024xf32> to vector<1xf32>
    %reduce_sum3A_407 = vector.shape_cast %reduce_sum3A_406 : vector<1xf32> to vector<1x1x1xf32>
    %reduce_sum3A_408 = vector.extract %reduce_sum3A_407[0, 0, 0] : f32 from vector<1x1x1xf32>
    %add3A_409 = arith.addf %add3A_376, %reduce_sum3A_408 : f32
    %iota3A_410 = tpu.iota {dimensions = array<i32: 0>} : vector<1024x800xi32>
    %add3A_411 = arith.constant 12288 : i32
    %add3A_412 = vector.broadcast %add3A_411 : i32 to vector<1024x800xi32>
    %add3A_413 = arith.addi %iota3A_410, %add3A_412 : vector<1024x800xi32>
    %eq3A_414 = vector.broadcast %get3A_5 : vector<1x800xi32> to vector<1024x800xi32>
    %eq3A_415 = arith.cmpi eq, %add3A_413, %eq3A_414 : vector<1024x800xi32>
    %jit3A_416 = arith.constant 1.000000e+00 : f32
    %jit3A_417 = arith.constant 0.000000e+00 : f32
    %broadcast_in_dim3A_418 = vector.broadcast %jit3A_416 : f32 to vector<1024x800xf32>
    %broadcast_in_dim3A_419 = vector.broadcast %jit3A_417 : f32 to vector<1024x800xf32>
    %select_n3A_420 = arith.select %eq3A_415, %broadcast_in_dim3A_418, %broadcast_in_dim3A_419 : vector<1024x800xi1>, vector<1024x800xf32>
    %convert_element_type3A_421 = arith.truncf %slice3A_393 : vector<320x1024xf32> to vector<320x1024xbf16>
    %convert_element_type3A_422 = arith.truncf %select_n3A_420 : vector<1024x800xf32> to vector<1024x800xbf16>
    %dot_general3A_423 = arith.constant dense<0.000000e+00> : vector<320x800xf32>
    %dot_general3A_424 = tpu.matmul %convert_element_type3A_421, %convert_element_type3A_422, %dot_general3A_423 {dimension_numbers = #tpu.dot_dimension_numbers<[1], [0], [0], [1], [0, 0, 1, 1], [], []>, transpose_lhs_hint = false} : vector<320x1024xbf16>, vector<1024x800xbf16>, vector<320x800xf32> -> vector<320x800xf32>
    %add3A_425 = arith.addf %add3A_392, %dot_general3A_424 : vector<320x800xf32>
    %slice3A_426 = vector.extract_strided_slice %reshape3A {offsets = [0, 13312], sizes = [320, 1024], strides = [1, 1]} : vector<320x20000xf32> to vector<320x1024xf32>
    %max3A_427 = arith.constant 0.000000e+00 : f32
    %max3A_428 = vector.broadcast %max3A_427 : f32 to vector<320x1024xf32>
    %max3A_429 = arith.maximumf %slice3A_426, %max3A_428 : vector<320x1024xf32>
    %abs3A_430 = math.absf %slice3A_426 : vector<320x1024xf32>
    %neg3A_431 = arith.constant 0.000000e+00 : f32
    %neg3A_432 = vector.broadcast %neg3A_431 : f32 to vector<320x1024xf32>
    %neg3A_433 = arith.subf %neg3A_432, %abs3A_430 : vector<320x1024xf32>
    %exp3A_434 = math.exp %neg3A_433 : vector<320x1024xf32>
    %log1p3A_435 = math.log1p %exp3A_434 : vector<320x1024xf32>
    %add3A_436 = arith.addf %max3A_429, %log1p3A_435 : vector<320x1024xf32>
    %reduce_sum3A_437 = vector.shape_cast %add3A_436 : vector<320x1024xf32> to vector<1x320x1024xf32>
    %reduce_sum3A_438 = arith.constant dense<0.000000e+00> : vector<1xf32>
    %reduce_sum3A_439 = vector.multi_reduction <add>, %reduce_sum3A_437, %reduce_sum3A_438 [1, 2] : vector<1x320x1024xf32> to vector<1xf32>
    %reduce_sum3A_440 = vector.shape_cast %reduce_sum3A_439 : vector<1xf32> to vector<1x1x1xf32>
    %reduce_sum3A_441 = vector.extract %reduce_sum3A_440[0, 0, 0] : f32 from vector<1x1x1xf32>
    %add3A_442 = arith.addf %add3A_409, %reduce_sum3A_441 : f32
    %iota3A_443 = tpu.iota {dimensions = array<i32: 0>} : vector<1024x800xi32>
    %add3A_444 = arith.constant 13312 : i32
    %add3A_445 = vector.broadcast %add3A_444 : i32 to vector<1024x800xi32>
    %add3A_446 = arith.addi %iota3A_443, %add3A_445 : vector<1024x800xi32>
    %eq3A_447 = vector.broadcast %get3A_5 : vector<1x800xi32> to vector<1024x800xi32>
    %eq3A_448 = arith.cmpi eq, %add3A_446, %eq3A_447 : vector<1024x800xi32>
    %jit3A_449 = arith.constant 1.000000e+00 : f32
    %jit3A_450 = arith.constant 0.000000e+00 : f32
    %broadcast_in_dim3A_451 = vector.broadcast %jit3A_449 : f32 to vector<1024x800xf32>
    %broadcast_in_dim3A_452 = vector.broadcast %jit3A_450 : f32 to vector<1024x800xf32>
    %select_n3A_453 = arith.select %eq3A_448, %broadcast_in_dim3A_451, %broadcast_in_dim3A_452 : vector<1024x800xi1>, vector<1024x800xf32>
    %convert_element_type3A_454 = arith.truncf %slice3A_426 : vector<320x1024xf32> to vector<320x1024xbf16>
    %convert_element_type3A_455 = arith.truncf %select_n3A_453 : vector<1024x800xf32> to vector<1024x800xbf16>
    %dot_general3A_456 = arith.constant dense<0.000000e+00> : vector<320x800xf32>
    %dot_general3A_457 = tpu.matmul %convert_element_type3A_454, %convert_element_type3A_455, %dot_general3A_456 {dimension_numbers = #tpu.dot_dimension_numbers<[1], [0], [0], [1], [0, 0, 1, 1], [], []>, transpose_lhs_hint = false} : vector<320x1024xbf16>, vector<1024x800xbf16>, vector<320x800xf32> -> vector<320x800xf32>
    %add3A_458 = arith.addf %add3A_425, %dot_general3A_457 : vector<320x800xf32>
    %slice3A_459 = vector.extract_strided_slice %reshape3A {offsets = [0, 14336], sizes = [320, 1024], strides = [1, 1]} : vector<320x20000xf32> to vector<320x1024xf32>
    %max3A_460 = arith.constant 0.000000e+00 : f32
    %max3A_461 = vector.broadcast %max3A_460 : f32 to vector<320x1024xf32>
    %max3A_462 = arith.maximumf %slice3A_459, %max3A_461 : vector<320x1024xf32>
    %abs3A_463 = math.absf %slice3A_459 : vector<320x1024xf32>
    %neg3A_464 = arith.constant 0.000000e+00 : f32
    %neg3A_465 = vector.broadcast %neg3A_464 : f32 to vector<320x1024xf32>
    %neg3A_466 = arith.subf %neg3A_465, %abs3A_463 : vector<320x1024xf32>
    %exp3A_467 = math.exp %neg3A_466 : vector<320x1024xf32>
    %log1p3A_468 = math.log1p %exp3A_467 : vector<320x1024xf32>
    %add3A_469 = arith.addf %max3A_462, %log1p3A_468 : vector<320x1024xf32>
    %reduce_sum3A_470 = vector.shape_cast %add3A_469 : vector<320x1024xf32> to vector<1x320x1024xf32>
    %reduce_sum3A_471 = arith.constant dense<0.000000e+00> : vector<1xf32>
    %reduce_sum3A_472 = vector.multi_reduction <add>, %reduce_sum3A_470, %reduce_sum3A_471 [1, 2] : vector<1x320x1024xf32> to vector<1xf32>
    %reduce_sum3A_473 = vector.shape_cast %reduce_sum3A_472 : vector<1xf32> to vector<1x1x1xf32>
    %reduce_sum3A_474 = vector.extract %reduce_sum3A_473[0, 0, 0] : f32 from vector<1x1x1xf32>
    %add3A_475 = arith.addf %add3A_442, %reduce_sum3A_474 : f32
    %iota3A_476 = tpu.iota {dimensions = array<i32: 0>} : vector<1024x800xi32>
    %add3A_477 = arith.constant 14336 : i32
    %add3A_478 = vector.broadcast %add3A_477 : i32 to vector<1024x800xi32>
    %add3A_479 = arith.addi %iota3A_476, %add3A_478 : vector<1024x800xi32>
    %eq3A_480 = vector.broadcast %get3A_5 : vector<1x800xi32> to vector<1024x800xi32>
    %eq3A_481 = arith.cmpi eq, %add3A_479, %eq3A_480 : vector<1024x800xi32>
    %jit3A_482 = arith.constant 1.000000e+00 : f32
    %jit3A_483 = arith.constant 0.000000e+00 : f32
    %broadcast_in_dim3A_484 = vector.broadcast %jit3A_482 : f32 to vector<1024x800xf32>
    %broadcast_in_dim3A_485 = vector.broadcast %jit3A_483 : f32 to vector<1024x800xf32>
    %select_n3A_486 = arith.select %eq3A_481, %broadcast_in_dim3A_484, %broadcast_in_dim3A_485 : vector<1024x800xi1>, vector<1024x800xf32>
    %convert_element_type3A_487 = arith.truncf %slice3A_459 : vector<320x1024xf32> to vector<320x1024xbf16>
    %convert_element_type3A_488 = arith.truncf %select_n3A_486 : vector<1024x800xf32> to vector<1024x800xbf16>
    %dot_general3A_489 = arith.constant dense<0.000000e+00> : vector<320x800xf32>
    %dot_general3A_490 = tpu.matmul %convert_element_type3A_487, %convert_element_type3A_488, %dot_general3A_489 {dimension_numbers = #tpu.dot_dimension_numbers<[1], [0], [0], [1], [0, 0, 1, 1], [], []>, transpose_lhs_hint = false} : vector<320x1024xbf16>, vector<1024x800xbf16>, vector<320x800xf32> -> vector<320x800xf32>
    %add3A_491 = arith.addf %add3A_458, %dot_general3A_490 : vector<320x800xf32>
    %slice3A_492 = vector.extract_strided_slice %reshape3A {offsets = [0, 15360], sizes = [320, 1024], strides = [1, 1]} : vector<320x20000xf32> to vector<320x1024xf32>
    %max3A_493 = arith.constant 0.000000e+00 : f32
    %max3A_494 = vector.broadcast %max3A_493 : f32 to vector<320x1024xf32>
    %max3A_495 = arith.maximumf %slice3A_492, %max3A_494 : vector<320x1024xf32>
    %abs3A_496 = math.absf %slice3A_492 : vector<320x1024xf32>
    %neg3A_497 = arith.constant 0.000000e+00 : f32
    %neg3A_498 = vector.broadcast %neg3A_497 : f32 to vector<320x1024xf32>
    %neg3A_499 = arith.subf %neg3A_498, %abs3A_496 : vector<320x1024xf32>
    %exp3A_500 = math.exp %neg3A_499 : vector<320x1024xf32>
    %log1p3A_501 = math.log1p %exp3A_500 : vector<320x1024xf32>
    %add3A_502 = arith.addf %max3A_495, %log1p3A_501 : vector<320x1024xf32>
    %reduce_sum3A_503 = vector.shape_cast %add3A_502 : vector<320x1024xf32> to vector<1x320x1024xf32>
    %reduce_sum3A_504 = arith.constant dense<0.000000e+00> : vector<1xf32>
    %reduce_sum3A_505 = vector.multi_reduction <add>, %reduce_sum3A_503, %reduce_sum3A_504 [1, 2] : vector<1x320x1024xf32> to vector<1xf32>
    %reduce_sum3A_506 = vector.shape_cast %reduce_sum3A_505 : vector<1xf32> to vector<1x1x1xf32>
    %reduce_sum3A_507 = vector.extract %reduce_sum3A_506[0, 0, 0] : f32 from vector<1x1x1xf32>
    %add3A_508 = arith.addf %add3A_475, %reduce_sum3A_507 : f32
    %iota3A_509 = tpu.iota {dimensions = array<i32: 0>} : vector<1024x800xi32>
    %add3A_510 = arith.constant 15360 : i32
    %add3A_511 = vector.broadcast %add3A_510 : i32 to vector<1024x800xi32>
    %add3A_512 = arith.addi %iota3A_509, %add3A_511 : vector<1024x800xi32>
    %eq3A_513 = vector.broadcast %get3A_5 : vector<1x800xi32> to vector<1024x800xi32>
    %eq3A_514 = arith.cmpi eq, %add3A_512, %eq3A_513 : vector<1024x800xi32>
    %jit3A_515 = arith.constant 1.000000e+00 : f32
    %jit3A_516 = arith.constant 0.000000e+00 : f32
    %broadcast_in_dim3A_517 = vector.broadcast %jit3A_515 : f32 to vector<1024x800xf32>
    %broadcast_in_dim3A_518 = vector.broadcast %jit3A_516 : f32 to vector<1024x800xf32>
    %select_n3A_519 = arith.select %eq3A_514, %broadcast_in_dim3A_517, %broadcast_in_dim3A_518 : vector<1024x800xi1>, vector<1024x800xf32>
    %convert_element_type3A_520 = arith.truncf %slice3A_492 : vector<320x1024xf32> to vector<320x1024xbf16>
    %convert_element_type3A_521 = arith.truncf %select_n3A_519 : vector<1024x800xf32> to vector<1024x800xbf16>
    %dot_general3A_522 = arith.constant dense<0.000000e+00> : vector<320x800xf32>
    %dot_general3A_523 = tpu.matmul %convert_element_type3A_520, %convert_element_type3A_521, %dot_general3A_522 {dimension_numbers = #tpu.dot_dimension_numbers<[1], [0], [0], [1], [0, 0, 1, 1], [], []>, transpose_lhs_hint = false} : vector<320x1024xbf16>, vector<1024x800xbf16>, vector<320x800xf32> -> vector<320x800xf32>
    %add3A_524 = arith.addf %add3A_491, %dot_general3A_523 : vector<320x800xf32>
    %slice3A_525 = vector.extract_strided_slice %reshape3A {offsets = [0, 16384], sizes = [320, 1024], strides = [1, 1]} : vector<320x20000xf32> to vector<320x1024xf32>
    %max3A_526 = arith.constant 0.000000e+00 : f32
    %max3A_527 = vector.broadcast %max3A_526 : f32 to vector<320x1024xf32>
    %max3A_528 = arith.maximumf %slice3A_525, %max3A_527 : vector<320x1024xf32>
    %abs3A_529 = math.absf %slice3A_525 : vector<320x1024xf32>
    %neg3A_530 = arith.constant 0.000000e+00 : f32
    %neg3A_531 = vector.broadcast %neg3A_530 : f32 to vector<320x1024xf32>
    %neg3A_532 = arith.subf %neg3A_531, %abs3A_529 : vector<320x1024xf32>
    %exp3A_533 = math.exp %neg3A_532 : vector<320x1024xf32>
    %log1p3A_534 = math.log1p %exp3A_533 : vector<320x1024xf32>
    %add3A_535 = arith.addf %max3A_528, %log1p3A_534 : vector<320x1024xf32>
    %reduce_sum3A_536 = vector.shape_cast %add3A_535 : vector<320x1024xf32> to vector<1x320x1024xf32>
    %reduce_sum3A_537 = arith.constant dense<0.000000e+00> : vector<1xf32>
    %reduce_sum3A_538 = vector.multi_reduction <add>, %reduce_sum3A_536, %reduce_sum3A_537 [1, 2] : vector<1x320x1024xf32> to vector<1xf32>
    %reduce_sum3A_539 = vector.shape_cast %reduce_sum3A_538 : vector<1xf32> to vector<1x1x1xf32>
    %reduce_sum3A_540 = vector.extract %reduce_sum3A_539[0, 0, 0] : f32 from vector<1x1x1xf32>
    %add3A_541 = arith.addf %add3A_508, %reduce_sum3A_540 : f32
    %iota3A_542 = tpu.iota {dimensions = array<i32: 0>} : vector<1024x800xi32>
    %add3A_543 = arith.constant 16384 : i32
    %add3A_544 = vector.broadcast %add3A_543 : i32 to vector<1024x800xi32>
    %add3A_545 = arith.addi %iota3A_542, %add3A_544 : vector<1024x800xi32>
    %eq3A_546 = vector.broadcast %get3A_5 : vector<1x800xi32> to vector<1024x800xi32>
    %eq3A_547 = arith.cmpi eq, %add3A_545, %eq3A_546 : vector<1024x800xi32>
    %jit3A_548 = arith.constant 1.000000e+00 : f32
    %jit3A_549 = arith.constant 0.000000e+00 : f32
    %broadcast_in_dim3A_550 = vector.broadcast %jit3A_548 : f32 to vector<1024x800xf32>
    %broadcast_in_dim3A_551 = vector.broadcast %jit3A_549 : f32 to vector<1024x800xf32>
    %select_n3A_552 = arith.select %eq3A_547, %broadcast_in_dim3A_550, %broadcast_in_dim3A_551 : vector<1024x800xi1>, vector<1024x800xf32>
    %convert_element_type3A_553 = arith.truncf %slice3A_525 : vector<320x1024xf32> to vector<320x1024xbf16>
    %convert_element_type3A_554 = arith.truncf %select_n3A_552 : vector<1024x800xf32> to vector<1024x800xbf16>
    %dot_general3A_555 = arith.constant dense<0.000000e+00> : vector<320x800xf32>
    %dot_general3A_556 = tpu.matmul %convert_element_type3A_553, %convert_element_type3A_554, %dot_general3A_555 {dimension_numbers = #tpu.dot_dimension_numbers<[1], [0], [0], [1], [0, 0, 1, 1], [], []>, transpose_lhs_hint = false} : vector<320x1024xbf16>, vector<1024x800xbf16>, vector<320x800xf32> -> vector<320x800xf32>
    %add3A_557 = arith.addf %add3A_524, %dot_general3A_556 : vector<320x800xf32>
    %slice3A_558 = vector.extract_strided_slice %reshape3A {offsets = [0, 17408], sizes = [320, 1024], strides = [1, 1]} : vector<320x20000xf32> to vector<320x1024xf32>
    %max3A_559 = arith.constant 0.000000e+00 : f32
    %max3A_560 = vector.broadcast %max3A_559 : f32 to vector<320x1024xf32>
    %max3A_561 = arith.maximumf %slice3A_558, %max3A_560 : vector<320x1024xf32>
    %abs3A_562 = math.absf %slice3A_558 : vector<320x1024xf32>
    %neg3A_563 = arith.constant 0.000000e+00 : f32
    %neg3A_564 = vector.broadcast %neg3A_563 : f32 to vector<320x1024xf32>
    %neg3A_565 = arith.subf %neg3A_564, %abs3A_562 : vector<320x1024xf32>
    %exp3A_566 = math.exp %neg3A_565 : vector<320x1024xf32>
    %log1p3A_567 = math.log1p %exp3A_566 : vector<320x1024xf32>
    %add3A_568 = arith.addf %max3A_561, %log1p3A_567 : vector<320x1024xf32>
    %reduce_sum3A_569 = vector.shape_cast %add3A_568 : vector<320x1024xf32> to vector<1x320x1024xf32>
    %reduce_sum3A_570 = arith.constant dense<0.000000e+00> : vector<1xf32>
    %reduce_sum3A_571 = vector.multi_reduction <add>, %reduce_sum3A_569, %reduce_sum3A_570 [1, 2] : vector<1x320x1024xf32> to vector<1xf32>
    %reduce_sum3A_572 = vector.shape_cast %reduce_sum3A_571 : vector<1xf32> to vector<1x1x1xf32>
    %reduce_sum3A_573 = vector.extract %reduce_sum3A_572[0, 0, 0] : f32 from vector<1x1x1xf32>
    %add3A_574 = arith.addf %add3A_541, %reduce_sum3A_573 : f32
    %iota3A_575 = tpu.iota {dimensions = array<i32: 0>} : vector<1024x800xi32>
    %add3A_576 = arith.constant 17408 : i32
    %add3A_577 = vector.broadcast %add3A_576 : i32 to vector<1024x800xi32>
    %add3A_578 = arith.addi %iota3A_575, %add3A_577 : vector<1024x800xi32>
    %eq3A_579 = vector.broadcast %get3A_5 : vector<1x800xi32> to vector<1024x800xi32>
    %eq3A_580 = arith.cmpi eq, %add3A_578, %eq3A_579 : vector<1024x800xi32>
    %jit3A_581 = arith.constant 1.000000e+00 : f32
    %jit3A_582 = arith.constant 0.000000e+00 : f32
    %broadcast_in_dim3A_583 = vector.broadcast %jit3A_581 : f32 to vector<1024x800xf32>
    %broadcast_in_dim3A_584 = vector.broadcast %jit3A_582 : f32 to vector<1024x800xf32>
    %select_n3A_585 = arith.select %eq3A_580, %broadcast_in_dim3A_583, %broadcast_in_dim3A_584 : vector<1024x800xi1>, vector<1024x800xf32>
    %convert_element_type3A_586 = arith.truncf %slice3A_558 : vector<320x1024xf32> to vector<320x1024xbf16>
    %convert_element_type3A_587 = arith.truncf %select_n3A_585 : vector<1024x800xf32> to vector<1024x800xbf16>
    %dot_general3A_588 = arith.constant dense<0.000000e+00> : vector<320x800xf32>
    %dot_general3A_589 = tpu.matmul %convert_element_type3A_586, %convert_element_type3A_587, %dot_general3A_588 {dimension_numbers = #tpu.dot_dimension_numbers<[1], [0], [0], [1], [0, 0, 1, 1], [], []>, transpose_lhs_hint = false} : vector<320x1024xbf16>, vector<1024x800xbf16>, vector<320x800xf32> -> vector<320x800xf32>
    %add3A_590 = arith.addf %add3A_557, %dot_general3A_589 : vector<320x800xf32>
    %slice3A_591 = vector.extract_strided_slice %reshape3A {offsets = [0, 18432], sizes = [320, 1024], strides = [1, 1]} : vector<320x20000xf32> to vector<320x1024xf32>
    %max3A_592 = arith.constant 0.000000e+00 : f32
    %max3A_593 = vector.broadcast %max3A_592 : f32 to vector<320x1024xf32>
    %max3A_594 = arith.maximumf %slice3A_591, %max3A_593 : vector<320x1024xf32>
    %abs3A_595 = math.absf %slice3A_591 : vector<320x1024xf32>
    %neg3A_596 = arith.constant 0.000000e+00 : f32
    %neg3A_597 = vector.broadcast %neg3A_596 : f32 to vector<320x1024xf32>
    %neg3A_598 = arith.subf %neg3A_597, %abs3A_595 : vector<320x1024xf32>
    %exp3A_599 = math.exp %neg3A_598 : vector<320x1024xf32>
    %log1p3A_600 = math.log1p %exp3A_599 : vector<320x1024xf32>
    %add3A_601 = arith.addf %max3A_594, %log1p3A_600 : vector<320x1024xf32>
    %reduce_sum3A_602 = vector.shape_cast %add3A_601 : vector<320x1024xf32> to vector<1x320x1024xf32>
    %reduce_sum3A_603 = arith.constant dense<0.000000e+00> : vector<1xf32>
    %reduce_sum3A_604 = vector.multi_reduction <add>, %reduce_sum3A_602, %reduce_sum3A_603 [1, 2] : vector<1x320x1024xf32> to vector<1xf32>
    %reduce_sum3A_605 = vector.shape_cast %reduce_sum3A_604 : vector<1xf32> to vector<1x1x1xf32>
    %reduce_sum3A_606 = vector.extract %reduce_sum3A_605[0, 0, 0] : f32 from vector<1x1x1xf32>
    %add3A_607 = arith.addf %add3A_574, %reduce_sum3A_606 : f32
    %iota3A_608 = tpu.iota {dimensions = array<i32: 0>} : vector<1024x800xi32>
    %add3A_609 = arith.constant 18432 : i32
    %add3A_610 = vector.broadcast %add3A_609 : i32 to vector<1024x800xi32>
    %add3A_611 = arith.addi %iota3A_608, %add3A_610 : vector<1024x800xi32>
    %eq3A_612 = vector.broadcast %get3A_5 : vector<1x800xi32> to vector<1024x800xi32>
    %eq3A_613 = arith.cmpi eq, %add3A_611, %eq3A_612 : vector<1024x800xi32>
    %jit3A_614 = arith.constant 1.000000e+00 : f32
    %jit3A_615 = arith.constant 0.000000e+00 : f32
    %broadcast_in_dim3A_616 = vector.broadcast %jit3A_614 : f32 to vector<1024x800xf32>
    %broadcast_in_dim3A_617 = vector.broadcast %jit3A_615 : f32 to vector<1024x800xf32>
    %select_n3A_618 = arith.select %eq3A_613, %broadcast_in_dim3A_616, %broadcast_in_dim3A_617 : vector<1024x800xi1>, vector<1024x800xf32>
    %convert_element_type3A_619 = arith.truncf %slice3A_591 : vector<320x1024xf32> to vector<320x1024xbf16>
    %convert_element_type3A_620 = arith.truncf %select_n3A_618 : vector<1024x800xf32> to vector<1024x800xbf16>
    %dot_general3A_621 = arith.constant dense<0.000000e+00> : vector<320x800xf32>
    %dot_general3A_622 = tpu.matmul %convert_element_type3A_619, %convert_element_type3A_620, %dot_general3A_621 {dimension_numbers = #tpu.dot_dimension_numbers<[1], [0], [0], [1], [0, 0, 1, 1], [], []>, transpose_lhs_hint = false} : vector<320x1024xbf16>, vector<1024x800xbf16>, vector<320x800xf32> -> vector<320x800xf32>
    %add3A_623 = arith.addf %add3A_590, %dot_general3A_622 : vector<320x800xf32>
    %slice3A_624 = vector.extract_strided_slice %reshape3A {offsets = [0, 19456], sizes = [320, 544], strides = [1, 1]} : vector<320x20000xf32> to vector<320x544xf32>
    %max3A_625 = arith.constant 0.000000e+00 : f32
    %max3A_626 = vector.broadcast %max3A_625 : f32 to vector<320x544xf32>
    %max3A_627 = arith.maximumf %slice3A_624, %max3A_626 : vector<320x544xf32>
    %abs3A_628 = math.absf %slice3A_624 : vector<320x544xf32>
    %neg3A_629 = arith.constant 0.000000e+00 : f32
    %neg3A_630 = vector.broadcast %neg3A_629 : f32 to vector<320x544xf32>
    %neg3A_631 = arith.subf %neg3A_630, %abs3A_628 : vector<320x544xf32>
    %exp3A_632 = math.exp %neg3A_631 : vector<320x544xf32>
    %log1p3A_633 = math.log1p %exp3A_632 : vector<320x544xf32>
    %add3A_634 = arith.addf %max3A_627, %log1p3A_633 : vector<320x544xf32>
    %reduce_sum3A_635 = vector.shape_cast %add3A_634 : vector<320x544xf32> to vector<1x320x544xf32>
    %reduce_sum3A_636 = arith.constant dense<0.000000e+00> : vector<1xf32>
    %reduce_sum3A_637 = vector.multi_reduction <add>, %reduce_sum3A_635, %reduce_sum3A_636 [1, 2] : vector<1x320x544xf32> to vector<1xf32>
    %reduce_sum3A_638 = vector.shape_cast %reduce_sum3A_637 : vector<1xf32> to vector<1x1x1xf32>
    %reduce_sum3A_639 = vector.extract %reduce_sum3A_638[0, 0, 0] : f32 from vector<1x1x1xf32>
    %add3A_640 = arith.addf %add3A_607, %reduce_sum3A_639 : f32
    %iota3A_641 = tpu.iota {dimensions = array<i32: 0>} : vector<544x800xi32>
    %add3A_642 = arith.constant 19456 : i32
    %add3A_643 = vector.broadcast %add3A_642 : i32 to vector<544x800xi32>
    %add3A_644 = arith.addi %iota3A_641, %add3A_643 : vector<544x800xi32>
    %eq3A_645 = vector.broadcast %get3A_5 : vector<1x800xi32> to vector<544x800xi32>
    %eq3A_646 = arith.cmpi eq, %add3A_644, %eq3A_645 : vector<544x800xi32>
    %jit3A_647 = arith.constant 1.000000e+00 : f32
    %jit3A_648 = arith.constant 0.000000e+00 : f32
    %broadcast_in_dim3A_649 = vector.broadcast %jit3A_647 : f32 to vector<544x800xf32>
    %broadcast_in_dim3A_650 = vector.broadcast %jit3A_648 : f32 to vector<544x800xf32>
    %select_n3A_651 = arith.select %eq3A_646, %broadcast_in_dim3A_649, %broadcast_in_dim3A_650 : vector<544x800xi1>, vector<544x800xf32>
    %convert_element_type3A_652 = arith.truncf %slice3A_624 : vector<320x544xf32> to vector<320x544xbf16>
    %convert_element_type3A_653 = arith.truncf %select_n3A_651 : vector<544x800xf32> to vector<544x800xbf16>
    %dot_general3A_654 = arith.constant dense<0.000000e+00> : vector<320x800xf32>
    %dot_general3A_655 = tpu.matmul %convert_element_type3A_652, %convert_element_type3A_653, %dot_general3A_654 {dimension_numbers = #tpu.dot_dimension_numbers<[1], [0], [0], [1], [0, 0, 1, 1], [], []>, transpose_lhs_hint = false} : vector<320x544xbf16>, vector<544x800xbf16>, vector<320x800xf32> -> vector<320x800xf32>
    %add3A_656 = arith.addf %add3A_623, %dot_general3A_655 : vector<320x800xf32>
    %iota3A_657 = tpu.iota {dimensions = array<i32: 0>} : vector<320x800xi32>
    %eq3A_658 = vector.broadcast %get3A_8 : vector<1x800xi32> to vector<320x800xi32>
    %eq3A_659 = arith.cmpi eq, %iota3A_657, %eq3A_658 : vector<320x800xi32>
    %jit3A_660 = arith.constant 1.000000e+00 : f32
    %jit3A_661 = arith.constant 0.000000e+00 : f32
    %broadcast_in_dim3A_662 = vector.broadcast %jit3A_660 : f32 to vector<320x800xf32>
    %broadcast_in_dim3A_663 = vector.broadcast %jit3A_661 : f32 to vector<320x800xf32>
    %select_n3A_664 = arith.select %eq3A_659, %broadcast_in_dim3A_662, %broadcast_in_dim3A_663 : vector<320x800xi1>, vector<320x800xf32>
    %swap3A = arith.constant 0 : index
    %swap3A_665 = arith.constant 0 : index
    %swap3A_666 = memref.load %arg3[%swap3A, %swap3A_665] : memref<1x1xf32, #tpu.memory_space<smem>>
    memref.store %add3A_640, %arg3[%swap3A, %swap3A_665] : memref<1x1xf32, #tpu.memory_space<smem>>
    %mul3A = arith.mulf %add3A_656, %select_n3A_664 : vector<320x800xf32>
    %reduce_sum3A_667 = vector.shape_cast %mul3A : vector<320x800xf32> to vector<1x320x800xf32>
    %reduce_sum3A_668 = arith.constant dense<0.000000e+00> : vector<1xf32>
    %reduce_sum3A_669 = vector.multi_reduction <add>, %reduce_sum3A_667, %reduce_sum3A_668 [1, 2] : vector<1x320x800xf32> to vector<1xf32>
    %reduce_sum3A_670 = vector.shape_cast %reduce_sum3A_669 : vector<1xf32> to vector<1x1x1xf32>
    %reduce_sum3A_671 = vector.extract %reduce_sum3A_670[0, 0, 0] : f32 from vector<1x1x1xf32>
    %swap3A_672 = arith.constant 0 : index
    %swap3A_673 = arith.constant 0 : index
    %swap3A_674 = memref.load %arg4[%swap3A_672, %swap3A_673] : memref<1x1xf32, #tpu.memory_space<smem>>
    memref.store %reduce_sum3A_671, %arg4[%swap3A_672, %swap3A_673] : memref<1x1xf32, #tpu.memory_space<smem>>
    return
  }
}

</mosaic_0001>

<sc_bundles>
// kernel: kernel.5.cloned.1.call-start
scs
__scs_entry_jumppad:
0x0: {  	(pc) =	sbr.rel $0x88, $3  }
0x1: {  	(tag) =	ssettag $0x0;
	lr =	simm.s32 $0x1  }
0x2: {  	[smem:$0x3F9C] =	sst lr;
	_ =	strace $0xD0000000  }
0x3: {  	_ = 	snop  }
0x4: {  	_ = 	snop  }
0x5: {  	_ = 	snop  }
0x6: {  	_ = 	snop  }
0x7: {  	_ = 	snop  }
__scs_overlays_trampoline_lowered:
0x8: {  	[smem:$0x3FAB] =	sst s0  }
0x9: {  	[smem:$0x3FAC] =	sst s1  }
0xa: {  	[smem:$0x3FAD] =	sst s2  }
0xb: {  	[smem:$0x3FAE] =	sst s3  }
0xc: {  	[smem:$0x3FAF] =	sst s4  }
0xd: {  	[smem:$0x3FB0] =	sst s5  }
0xe: {  	[smem:$0x3FB1] =	sst s6  }
0xf: {  	[smem:$0x3FB2] =	sst s7  }
0x10: {  	[smem:$0x3FB3] =	sst s8  }
0x11: {  	[smem:$0x3FB4] =	sst s9;
	s0 =	simm.s32 @!p0 $0x0  }
0x12: {  	s1 =	sld [smem:$0x3F9A];
	s0 =	simm.s32 @p0 $0x1  }
0x13: {  	[smem:$0x3FB5] =	sst s0;
	s0 =	simm.s32 @!p1 $0x0  }
0x14: {  	s2 =	sld [smem:$0x3F99];
	s0 =	simm.s32 @p1 $0x1  }
0x15: {  	[smem:$0x3FB6] =	sst s0;
	s0 =	simm.s32 @!p2 $0x0  }
0x16: {  	s3 =	sld [smem:$0x3FDB];
	s0 =	simm.s32 @p2 $0x1  }
0x17: {  	s4 =	simm.s32 $0x1BF5;
	[smem:$0x3FB8] =	sst s0  }
0x18: {  	s0 =	sld [smem:$0x3F9B];
	_ =	swait.ge [sflag:s4], $0x0  }
0x19: {  	s7 =	sld [smem:$0x3F9C]  }
0x1a: {  	s8 =	sadd.s32 $0xFFFFE003, lr  }
0x1b: {  	s9 =	sadd.s32 $0xFFFFFEF7, lr;
	s5 =	simm.s32 $0xFFFFFFFF;
	p2 =	slt.u32 s8, $0xFFFFF086  }
0x1c: {  	p1 =	slt.u32 s9, $0xF7A;
	s5 =	simm.s32 @!p2 $0x0  }
0x1d: {  	s5 =	simm.s32 @p1 $0x1;
	p0 =	seq.s32 s7, s2  }
0x1e: {  	s7 =	smul.u32 @!p0 $0xF7A, s2;
	p2 =	seq.s32 @!p0 s5, $0x0  }
0x1f: {  	s9 =	smul.u32 $0xF7A, s1;
	s8 =	simm.s32 @!p0 $0x1BF5;
	p2 =	por !p2, p0  }
0x20: {  	[sflag:s8] =	ssyncset.s32 @!p0 $0xFFFFF086;
	s6 =	sadd.s32 @!p0 s3, s7;
	s7 =	simm.s32 @!p0 $0x108  }
0x21: {  	s3 =	sadd.s32 s3, s9;
	s6 =	sadd.s32 @!p0 $0x88, s6;
	s7 =	simm.s32 @p2 $0x1082  }
0x22: {  	[simem:s7], [sflag:s8] =	dma.local @!p0 [hbm:s6], $0xF7A  }
0x23: {  	s9 =	sor.u32 $0xD0000000, s2;
	s6 =	simm.s32 $0x108;
	_ =	swait.ge @!p0 [sflag:s8], $0x0  }
0x24: {  	s3 =	sadd.s32 $0x88, s3;
	s6 =	simm.s32 @!p1 $0x1082;
	[sflag:s4] =	ssyncset.s32 $0xFFFFF086  }
0x25: {  	[simem:s6], [sflag:s4] =	dma.local [hbm:s3], $0xF7A  }
0x26: {  	[smem:$0x3F9C] =	sst s1;
	(tag) =	ssettag s2;
	_ =	strace s9  }
0x27: {  	s1 =	sld [smem:$0x3FAC]  }
0x28: {  	s2 =	sld [smem:$0x3FAD]  }
0x29: {  	s4 =	sld [smem:$0x3FAF]  }
0x2a: {  	p0 =	seq.s32 s5, $0x0;
	s5 =	sld [smem:$0x3FB0]  }
0x2b: {  	s6 =	sld [smem:$0x3FB1]  }
0x2c: {  	s7 =	sld [smem:$0x3FB2]  }
0x2d: {  	s3 =	simm.s32 $0x108;
	s8 =	sld [smem:$0x3FB3]  }
0x2e: {  	s3 =	simm.s32 @!p0 $0x1082;
	s9 =	sld [smem:$0x3FB4]  }
0x2f: {  	lr =	sadd.s32 s0, s3;
	s0 =	sld [smem:$0x3FAB]  }
0x30: {  	s3 =	sld [smem:$0x3FAE]  }
0x31: {  	[smem:$0x3FB7] =	sst s10  }
0x32: {  	s10 =	sld [smem:$0x3FB5];
	_ =	sdelay $0x3  }
0x33: {  	p0 =	seq.s32 s10, $0x1;
	s10 =	sld [smem:$0x3FB7];
	_ =	sdelay $0x3  }
0x34: {  	[smem:$0x3FB7] =	sst s10  }
0x35: {  	s10 =	sld [smem:$0x3FB6];
	_ =	sdelay $0x3  }
0x36: {  	p1 =	seq.s32 s10, $0x1;
	s10 =	sld [smem:$0x3FB7];
	_ =	sdelay $0x3  }
0x37: {  	[smem:$0x3FB7] =	sst s10  }
0x38: {  	s10 =	sld [smem:$0x3FB8]  }
0x39: {  	_ = 	snop;
	(pc) =	sbr.ind lr, $3  }
0x3a: {  	_ = 	snop  }
0x3b: {  	_ = 	snop  }
0x3c: {  	p2 =	seq.s32 s10, $0x1;
	s10 =	sld [smem:$0x3FB7]  }
0x3d: {  	_ =	shalt  }
0x3e: {  	_ =	shalt  }
0x3f: {  	_ =	shalt  }
0x40: {  	_ =	shalt  }
0x41: {  	_ =	shalt  }
0x42: {  	_ =	shalt  }
0x43: {  	_ =	shalt  }
0x44: {  	_ =	shalt  }
0x45: {  	_ =	shalt  }
0x46: {  	_ =	shalt  }
0x47: {  	_ =	shalt  }
0x48: {  	_ =	shalt  }
0x49: {  	_ =	shalt  }
0x4a: {  	_ =	shalt  }
0x4b: {  	_ =	shalt  }
0x4c: {  	_ =	shalt  }
0x4d: {  	_ =	shalt  }
0x4e: {  	_ =	shalt  }
0x4f: {  	_ =	shalt  }
0x50: {  	_ =	shalt  }
0x51: {  	_ =	shalt  }
0x52: {  	_ =	shalt  }
0x53: {  	_ =	shalt  }
0x54: {  	_ =	shalt  }
0x55: {  	_ =	shalt  }
0x56: {  	_ =	shalt  }
0x57: {  	_ =	shalt  }
0x58: {  	_ =	shalt  }
0x59: {  	_ =	shalt  }
0x5a: {  	_ =	shalt  }
0x5b: {  	_ =	shalt  }
0x5c: {  	_ =	shalt  }
0x5d: {  	_ =	shalt  }
0x5e: {  	_ =	shalt  }
0x5f: {  	_ =	shalt  }
0x60: {  	_ =	shalt  }
0x61: {  	_ =	shalt  }
0x62: {  	_ =	shalt  }
0x63: {  	_ =	shalt  }
0x64: {  	_ =	shalt  }
0x65: {  	_ =	shalt  }
0x66: {  	_ =	shalt  }
0x67: {  	_ =	shalt  }
0x68: {  	_ =	shalt  }
0x69: {  	_ =	shalt  }
0x6a: {  	_ =	shalt  }
0x6b: {  	_ =	shalt  }
0x6c: {  	_ =	shalt  }
0x6d: {  	_ =	shalt  }
0x6e: {  	_ =	shalt  }
0x6f: {  	_ =	shalt  }
0x70: {  	_ =	shalt  }
0x71: {  	_ =	shalt  }
0x72: {  	_ =	shalt  }
0x73: {  	_ =	shalt  }
0x74: {  	_ =	shalt  }
0x75: {  	_ =	shalt  }
0x76: {  	_ =	shalt  }
0x77: {  	_ =	shalt  }
0x78: {  	_ =	shalt  }
0x79: {  	_ =	shalt  }
0x7a: {  	_ =	shalt  }
0x7b: {  	_ =	shalt  }
0x7c: {  	_ =	shalt  }
0x7d: {  	_ =	shalt  }
0x7e: {  	_ =	shalt  }
0x7f: {  	_ =	shalt  }
0x80: {  	_ =	shalt  }
0x81: {  	_ =	shalt  }
0x82: {  	_ =	shalt  }
0x83: {  	_ =	shalt  }
0x84: {  	_ =	shalt  }
0x85: {  	_ =	shalt  }
0x86: {  	_ =	shalt  }
0x87: {  	_ =	shalt  }
.Lfunc_end0:
.L_simem_size_0:
called_computation_lowered:
.L_overlay_start_0:
0x88: {  	s2 =	sld [smem:$0x3FD9]  }
0x89: {  	s3 =	sld [smem:$0x3FFE];
	_ =	sdelay $0x1  }
0x8a: {  	s1 =	srdreg.scid  }
0x8b: {  	s0 =	sand.u32 $0x1, s1  }
0x8c: {  	s16 =	sshll.u32 s0, $0xA;
	s2 =	sadd.s32 s3, s2  }
0x8d: {  	s2 =	sadd.s32 s2, s16  }
0x8e: {  	[smem:$0x3FC3] =	sst s2  }
0x8f: {  	_ = 	snop  }
0x90: {  	(tm) =	ssettm $0x1  }
0x91: {  	s17 =	sld [smem:$0x3FFB];
	_ =	sdelay $0x3  }
0x92: {  	_ =	strace s17  }
0x93: {  	s2 =	sld [smem:$0x3FFC];
	_ =	sdelay $0x3  }
0x94: {  	_ =	strace s2  }
0x95: {  	s2 =	sld [smem:$0x3FFD];
	_ =	sdelay $0x3  }
0x96: {  	_ =	strace s2  }
0x97: {  	_ =	strace $0x8FFFFFFF  }
0x98: {  	s18 =	sld [smem:$0x3FDB];
	_ =	sdelay $0x1  }
0x99: {  	s19 =	simm.s32 $_scs_section_size  }
0x9a: {  	s4 =	simm.s32 $_size__tile_overlayer_lowered;
	s5 =	simm.s32 $_tile_overlayer_lowered  }
0x9b: {  	s22 =	simm.s32 $0x1BFF;
	s21 =	sshll.u32 s5, $0x1;
	s2 =	sadd.s32 s19, s18  }
0x9c: {  	s6 =	simm.s32 $0x0;
	s20 =	sshll.u32 s4, $0x1;
	s4 =	sadd.s32 s21, s2  }
0x9d: {  	[timem:s6], [sflag:s22] =	dma.local [hbm:s4], s20  }
0x9e: {  	_ =	swait.ge [sflag:s22], s20  }
0x9f: {  	s3 =	ssub.s32 $0x0, s20;
	[sflag:s22] =	ssyncset.done $0x0  }
0xa0: {  	[sflag:s22] =	ssyncadd.s32 s3;
	_ =	sdelay $0x1  }
0xa1: {  	s23 =	simm.s32 $0x1B8B  }
0xa2: {  	_ =	swait.ge [sflag:s23], $0x1  }
0xa3: {  	[sflag:s23] =	ssyncset.done $0x0  }
0xa4: {  	s25 =	simm.s32 $0x1B8E;
	s24 =	sld [smem:$0x3FFE];
	[sflag:s23] =	ssyncadd.s32 $0xFFFFFFFF  }
0xa5: {  	s26 =	simm.s32 $execute0_lowered;
	[smem:$0x3FD2] =	sst s25  }
0xa6: {  	s4 =	sshll.u32 s26, $0x1;
	_ =	strace $0x80000046;
	[dreg:$0x1] =	wrdreg $0xFFFFFFFF  }
0xa7: {  	s28 =	simm.s32 $_size_execute0_lowered;
	s2 =	sadd.s32 s2, s4;
	[dreg:$0x0] =	wrdreg $0x0  }
0xa8: {  	s4 =	sshll.u32 s28, $0x1;
	[dreg:$0x2] =	wrdreg s2  }
0xa9: {  	[dreg:$0x3] =	wrdreg s4  }
0xaa: {  	[dreg:$0x4] =	wrdreg $0xC0  }
0xab: {  	_ =	task [dreg:s6], $0x5FFFF  }
0xac: {  	[dreg:$0x1] =	wrdreg $0xFFFFFFFF  }
0xad: {  	[dreg:$0x0] =	wrdreg $0x60  }
0xae: {  	[dreg:$0x2] =	wrdreg s24  }
0xaf: {  	[dreg:$0x3] =	wrdreg $0x9  }
0xb0: {  	_ =	task.clear_ibuf [dreg:s6], $0x4FFFF;
	_ =	strace $0x90000046  }
0xb1: {  	s29 =	simm.s32 $0x9;
	_ =	strace $0x80000048  }
0xb2: {  	_ =	swait.ge [sflag:s29], $0x1  }
0xb3: {  	[sflag:s29] =	ssyncadd.s32 $0xFFFFFFFF  }
0xb4: {  	_ =	strace $0x90000048  }
0xb5: {  	_ =	sfence  }
0xb6: {  	s30 =	sld [smem:$0x0];
	_ =	sdelay $0x2  }
0xb7: {  	s31 =	sshll.u32 s1, $0xD;
	s1 =	sshrl.u32 s1, $0x2  }
0xb8: {  	s3 =	sand.u32 $0x4000, s31;
	s1 =	sadd.s32 s1, s30  }
0xb9: {  	s0 =	sor.u32 s3, s0;
	s1 =	sshll.u32 s1, $0x11  }
0xba: {  	s0 =	sor.u32 s1, s0  }
0xbb: {  	s0 =	sadd.s32 $0x8F2B, s0  }
0xbc: {  	[sflag:s0] =	ssyncadd.remote.s32 $0x1  }
0xbd: {  	_ =	sfence.sel $0xFFFF  }
0xbe: {  	[dreg:$0x0] =	wrdreg $0xFFFFFFFF;
	(pc) =	sbr.abs _section_cstart, $3  }
0xbf: {  	[dreg:$0x1] =	wrdreg $0xFFFFFFFF  }
0xc0: {  	_ =	task.clear_ibuf [dreg:s6], $0x2FFFF;
	_ =	strace $0x9FFFFFFF  }
0xc1: {  	(tm) =	ssettm $0x7FFFFFFF  }
tec
execute0_lowered:
.L_overlay_start_1:
0x0: {  	(tag) =	ssettag $0x1  }
0x1: {  	s1 =	srdreg.scid;
	s0 =	stileid.u32  }
0x2: {  	s20 =	sand.u32 $0x1, s1;
	s31 =	sshll.u32 s0, $0x1  }
0x3: {  	s18 =	rddreg [dreg:$0x0];
	s19 =	sor.u32 s20, s31  }
0x4: {  	s2 =	simm.s32 $0x0;
	s1 =	rddreg [dreg:$0x1];
	s3 =	sshll.u32 s19, $0x2  }
0x5: {  	[smem:$0x7FF] =	sst s2;
	s4 =	sadd.s32 s18, s3  }
0x6: {  	_ =	strace $0x80000047;
	s3 =	simm.s32 $0x2;
	s5 =	sadd.s32 $0x600, s4  }
0x7: {  	[tilespmem:s2], [sflag:$0x2] =	stream.linear.gather [hbm4b:s5+s2], $0x20, $0x38;
	[tilespmem:$0x400] =	vst v63  }
0x8: {  	_ =	swait.ge [sflag:s3], $0x20  }
0x9: {  	[sflag:s3] =	ssyncset.done $0x0  }
0xa: {  	s7 =	simm.s32 $0x80;
	s6 =	sadd.s32 $0x400, s4;
	[sflag:s3] =	ssyncadd.s32 $0xFFFFFFE0  }
0xb: {  	[tilespmem:s7], [sflag:$0x2] =	stream.linear.gather [hbm4b:s6+s2], $0x20, $0x38;
	[tilespmem:$0x400] =	vst v63  }
0xc: {  	_ =	swait.ge [sflag:s3], $0x20  }
0xd: {  	[sflag:s3] =	ssyncset.done $0x0  }
0xe: {  	s9 =	simm.s32 $0x100;
	s8 =	sadd.s32 $0x200, s4;
	[sflag:s3] =	ssyncadd.s32 $0xFFFFFFE0  }
0xf: {  	[tilespmem:s9], [sflag:$0x2] =	stream.linear.gather [hbm4b:s8+s2], $0x20, $0x38;
	[tilespmem:$0x400] =	vst v63  }
0x10: {  	_ =	swait.ge [sflag:s3], $0x20  }
0x11: {  	[sflag:s3] =	ssyncset.done $0x0  }
0x12: {  	s10 =	simm.s32 $0x180;
	[sflag:s3] =	ssyncadd.s32 $0xFFFFFFE0  }
0x13: {  	[tilespmem:s10], [sflag:$0x2] =	stream.linear.gather [hbm4b:s4+s2], $0x20, $0x38;
	[tilespmem:$0x400] =	vst v63  }
0x14: {  	_ =	swait.ge [sflag:s3], $0x20  }
0x15: {  	[sflag:s3] =	ssyncset.done $0x0  }
0x16: {  	s12 =	simm.s32 $0x200;
	s11 =	sadd.s32 $0x800, s4;
	[sflag:s3] =	ssyncadd.s32 $0xFFFFFFE0  }
0x17: {  	[tilespmem:s12], [sflag:$0x2] =	stream.linear.gather [hbm4b:s11+s2], $0x20, $0x38;
	[tilespmem:$0x400] =	vst v63  }
0x18: {  	_ =	swait.ge [sflag:s3], $0x20  }
0x19: {  	s14 =	simm.s32 $0x20;
	s15 =	simm.s32 $0x280;
	[sflag:s3] =	ssyncset.done $0x0  }
0x1a: {  	s16 =	simm.s32 $0x1;
	s13 =	sadd.s32 $0x4E2400, s18;
	[sflag:s3] =	ssyncadd.s32 $0xFFFFFFE0  }
0x1b: {  	[tilespmem:s15], [sflag:$0x1] =	stream.indirect.gather [hbm4b:s13+s14], $0x1, s2, s14, $0xb8;
	[tilespmem:$0x400] =	vst v63  }
0x1c: {  	_ =	swait.ge [sflag:s16], $0x20  }
0x1d: {  	[sflag:s16] =	ssyncset.done $0x0  }
0x1e: {  	s17 =	simm.s32 $0x300;
	[sflag:s16] =	ssyncadd.s32 $0xFFFFFFE0  }
0x1f: {  	[tilespmem:s17], [sflag:$0x1] =	stream.indirect.gather [hbm4b:s13+s14], $0x1, s7, s14, $0xb8;
	[tilespmem:$0x400] =	vst v63  }
0x20: {  	_ =	swait.ge [sflag:s16], $0x20  }
0x21: {  	[sflag:s16] =	ssyncset.done $0x0  }
0x22: {  	[sflag:s16] =	ssyncadd.s32 $0xFFFFFFE0  }
0x23: {  	v2 =	vld [tilespmem:$0x110]  }
0x24: {  	v3 =	vld [tilespmem:$0x180]  }
0x25: {  	v4 =	vld [tilespmem:$0x100]  }
0x26: {  	v0 =	vld [tilespmem:$0x190]  }
0x27: {  	v5 =	vld [tilespmem:$0x300]  }
0x28: {  	s20 =	ssub.s32 $0x2, s20;
	v6 =	vld [tilespmem:$0x280]  }
0x29: {  	s21 =	sshrl.u32 s20, $0x1;
	v1 =	vld [tilespmem:$0x290];
	vm0 =	vlt.f32 v2, $0.0e+00;
	vm1 =	vgt.f32 v2, $0.0e+00  }
0x2a: {  	s20 =	ssub.s32 s20, s21;
	v7 =	vld [tilespmem:$0x310];
	vm2 =	vlt.f32 v3, $0.0e+00;
	vm3 =	vgt.f32 v3, $0.0e+00;
	vm13 =	vlt.f32 v4, $0.0e+00  }
0x2b: {  	s20 =	smax.u32 s20, $0x1;
	vm4 =	vgt.f32 v4, $0.0e+00;
	vm14 =	vlt.f32 v0, $0.0e+00;
	vm2 =	vmor vm3, vm2  }
0x2c: {  	p0 =	sne.s32 s20, $0x1;
	vm0 =	vmor vm1, vm0;
	vm1 =	vmor vm4, vm13;
	v5 =	vnsel vm2, $0x0, v5  }
.Ltmp0:
0x2d: {  	vm15 =	vgt.f32 v0, $0.0e+00;
	v6 =	vnsel vm1, $0x0, v6;
	v11 =	vsub.f32 v5, v3;
	(pc) =	sbr.rel @!p0 .LBB2_2-.Ltmp0, $4  }
0x2e: {  	v1 =	vnsel vm0, $0x0, v1;
	vm0 =	vmor vm15, vm14;
	v3 =	vsub.f32 v6, v4  }
0x2f: {  	s19 =	sshll.u32 s19, $0x4;
	v1 =	vsub.f32 v1, v2;
	v5 =	vnsel vm0, $0x0, v7;
	v6 =	vmul.f32 $5.000000000e-01, v11  }
0x30: {  	s18 =	sadd.s32 s19, s18;
	v2 =	vld [tilespmem:$0x200];
	v4 =	vand.u32 $0x7FFFFFFF, v11;
	v8 =	vand.u32 $0x7FFFFFFF, v3;
	v10 =	vmul.f32 $5.000000000e-01, v3  }
0x31: {  	s19 =	simm.s32 $0x380;
	s18 =	sadd.s32 $0xA00, s18;
	s20 =	sadd.s32 $0xFFFFFFFF, s20;
	v9 =	vadd.f32 $-5.000000000e-01, v8;
	v7 =	vmul.f32 v6, v11;
	v6 =	vand.u32 $0x7FFFFFFF, v1  }
.LBB2_1:
0x32: {  	p0 =	sne.s32 s20, $0x1;
	s20 =	sadd.s32 $0xFFFFFFFF, s20;
	v3 =	vmul.f32 v10, v3;
	v10 =	vadd.f32 $-5.000000000e-01, v4;
	v11 =	vmul.f32 $5.000000000e-01, v1  }
0x33: {  	vm0 =	vlt.f32 v8, $1.000000000e+00;
	vm1 =	vlt.f32 v4, $1.000000000e+00;
	v4 =	vadd.f32 $-5.000000000e-01, v6  }
0x34: {  	v0 =	vsub.f32 v5, v0;
	v3 =	vsel vm0, v3, v9;
	v8 =	vld [tilespmem:$0x210];
	v1 =	vmul.f32 v11, v1  }
0x35: {  	v5 =	vsel vm1, v7, v10;
	vm0 =	vlt.f32 v6, $1.000000000e+00;
	v3 =	vmul.f32 v3, v2  }
0x36: {  	v6 =	vmul.f32 $5.000000000e-01, v0;
	v1 =	vsel vm0, v1, v4;
	v4 =	vand.u32 $0x7FFFFFFF, v0  }
0x37: {  	v2 =	vmul.f32 v5, v2;
	v3 =	vadd.f32 $0.0e+00, v3  }
0x38: {  	v0 =	vmul.f32 v6, v0;
	v5 =	vadd.f32 $-5.000000000e-01, v4  }
0x39: {  	vm0 =	vlt.f32 v4, $1.000000000e+00;
	v2 =	vadd.f32 v2, v3;
	v1 =	vmul.f32 v1, v8  }
0x3a: {  	v0 =	vsel vm0, v0, v5  }
0x3b: {  	v0 =	vmul.f32 v0, v8;
	v1 =	vadd.f32 v1, v2;
	_ =	sdelay $0x1  }
0x3c: {  	v0 =	vadd.f32 v0, v1;
	_ =	sdelay $0x1  }
0x3d: {  	[tilespmem:$0x380] =	vst v0  }
0x3e: {  	[hbm4b:s18+s2] =	stream.linear.scatter [tilespmem:s19], [sflag:$0x2], $0x80, $0x38;
	[tilespmem:$0x400] =	vst v63  }
0x3f: {  	_ =	swait.ge [sflag:s3], $0x80  }
0x40: {  	[sflag:s3] =	ssyncset.done $0x0  }
0x41: {  	[sflag:s3] =	ssyncadd.s32 $0xFFFFFF80  }
0x42: {  	[tilespmem:s2], [sflag:$0x2] =	stream.linear.gather [hbm4b:s5+s2], $0x20, $0x38;
	[tilespmem:$0x400] =	vst v63  }
0x43: {  	_ =	swait.ge [sflag:s3], $0x20  }
0x44: {  	[sflag:s3] =	ssyncset.done $0x0  }
0x45: {  	[sflag:s3] =	ssyncadd.s32 $0xFFFFFFE0  }
0x46: {  	[tilespmem:s7], [sflag:$0x2] =	stream.linear.gather [hbm4b:s6+s2], $0x20, $0x38;
	[tilespmem:$0x400] =	vst v63  }
0x47: {  	_ =	swait.ge [sflag:s3], $0x20  }
0x48: {  	[sflag:s3] =	ssyncset.done $0x0  }
0x49: {  	[sflag:s3] =	ssyncadd.s32 $0xFFFFFFE0  }
0x4a: {  	[tilespmem:s9], [sflag:$0x2] =	stream.linear.gather [hbm4b:s8+s2], $0x20, $0x38;
	[tilespmem:$0x400] =	vst v63  }
0x4b: {  	_ =	swait.ge [sflag:s3], $0x20  }
0x4c: {  	[sflag:s3] =	ssyncset.done $0x0  }
0x4d: {  	[sflag:s3] =	ssyncadd.s32 $0xFFFFFFE0  }
0x4e: {  	[tilespmem:s10], [sflag:$0x2] =	stream.linear.gather [hbm4b:s4+s2], $0x20, $0x38;
	[tilespmem:$0x400] =	vst v63  }
0x4f: {  	_ =	swait.ge [sflag:s3], $0x20  }
0x50: {  	[sflag:s3] =	ssyncset.done $0x0  }
0x51: {  	[sflag:s3] =	ssyncadd.s32 $0xFFFFFFE0  }
0x52: {  	[tilespmem:s12], [sflag:$0x2] =	stream.linear.gather [hbm4b:s11+s2], $0x20, $0x38;
	[tilespmem:$0x400] =	vst v63  }
0x53: {  	_ =	swait.ge [sflag:s3], $0x20  }
0x54: {  	[sflag:s3] =	ssyncset.done $0x0  }
0x55: {  	[sflag:s3] =	ssyncadd.s32 $0xFFFFFFE0  }
0x56: {  	[tilespmem:s15], [sflag:$0x1] =	stream.indirect.gather [hbm4b:s13+s14], $0x1, s2, s14, $0xb8;
	[tilespmem:$0x400] =	vst v63  }
0x57: {  	_ =	swait.ge [sflag:s16], $0x20  }
0x58: {  	[sflag:s16] =	ssyncset.done $0x0  }
0x59: {  	[sflag:s16] =	ssyncadd.s32 $0xFFFFFFE0  }
0x5a: {  	[tilespmem:s17], [sflag:$0x1] =	stream.indirect.gather [hbm4b:s13+s14], $0x1, s7, s14, $0xb8;
	[tilespmem:$0x400] =	vst v63  }
0x5b: {  	_ =	swait.ge [sflag:s16], $0x20  }
0x5c: {  	[sflag:s16] =	ssyncset.done $0x0  }
0x5d: {  	[sflag:s16] =	ssyncadd.s32 $0xFFFFFFE0  }
0x5e: {  	v1 =	vld [tilespmem:$0x290]  }
0x5f: {  	v2 =	vld [tilespmem:$0x110]  }
0x60: {  	v3 =	vld [tilespmem:$0x180]  }
0x61: {  	v4 =	vld [tilespmem:$0x100]  }
0x62: {  	v5 =	vld [tilespmem:$0x300]  }
0x63: {  	v6 =	vld [tilespmem:$0x280]  }
0x64: {  	v0 =	vld [tilespmem:$0x190];
	vm0 =	vlt.f32 v2, $0.0e+00;
	vm1 =	vgt.f32 v2, $0.0e+00  }
0x65: {  	vm2 =	vlt.f32 v3, $0.0e+00;
	vm3 =	vgt.f32 v3, $0.0e+00;
	vm0 =	vmor vm1, vm0  }
0x66: {  	vm1 =	vlt.f32 v4, $0.0e+00;
	vm4 =	vgt.f32 v4, $0.0e+00;
	vm2 =	vmor vm3, vm2;
	v7 =	vld [tilespmem:$0x310]  }
0x67: {  	v1 =	vnsel vm0, $0x0, v1;
	vm1 =	vmor vm4, vm1;
	v5 =	vnsel vm2, $0x0, v5  }
.Ltmp1:
0x68: {  	v1 =	vsub.f32 v1, v2;
	v6 =	vnsel vm1, $0x0, v6;
	v11 =	vsub.f32 v5, v3;
	(pc) =	sbr.rel @p0 .LBB2_1-.Ltmp1, $4  }
0x69: {  	v3 =	vsub.f32 v6, v4;
	vm0 =	vlt.f32 v0, $0.0e+00;
	vm1 =	vgt.f32 v0, $0.0e+00  }
0x6a: {  	v4 =	vand.u32 $0x7FFFFFFF, v11;
	v6 =	vmul.f32 $5.000000000e-01, v11;
	vm0 =	vmor vm1, vm0  }
0x6b: {  	v2 =	vld [tilespmem:$0x200];
	v8 =	vand.u32 $0x7FFFFFFF, v3;
	v10 =	vmul.f32 $5.000000000e-01, v3;
	v5 =	vnsel vm0, $0x0, v7  }
0x6c: {  	v9 =	vadd.f32 $-5.000000000e-01, v8;
	v7 =	vmul.f32 v6, v11;
	v6 =	vand.u32 $0x7FFFFFFF, v1  }
.LBB2_2:
0x6d: {  	v3 =	vmul.f32 v10, v3  }
0x6e: {  	v57 =	vadd.f32 $-5.000000000e-01, v4;
	v11 =	vmul.f32 $5.000000000e-01, v1;
	vm0 =	vlt.f32 v8, $1.000000000e+00  }
0x6f: {  	vm1 =	vlt.f32 v4, $1.000000000e+00;
	v58 =	vld [tilespmem:$0x210];
	v0 =	vsub.f32 v5, v0;
	v3 =	vsel vm0, v3, v9  }
0x70: {  	v59 =	vadd.f32 $-5.000000000e-01, v6;
	vm14 =	vlt.f32 v6, $1.000000000e+00;
	v3 =	vmul.f32 v3, v2  }
0x71: {  	v1 =	vmul.f32 v11, v1;
	v7 =	vsel vm1, v7, v57;
	v60 =	vmul.f32 $5.000000000e-01, v0  }
0x72: {  	v61 =	vand.u32 $0x7FFFFFFF, v0;
	v62 =	vmul.f32 v7, v2;
	v3 =	vadd.f32 $0.0e+00, v3  }
0x73: {  	v63 =	vadd.f32 $-5.000000000e-01, v61;
	v1 =	vsel vm14, v1, v59;
	v0 =	vmul.f32 v60, v0  }
0x74: {  	vm15 =	vlt.f32 v61, $1.000000000e+00;
	v1 =	vmul.f32 v1, v58;
	v2 =	vadd.f32 v62, v3  }
0x75: {  	v0 =	vsel vm15, v0, v63  }
0x76: {  	v0 =	vmul.f32 v0, v58;
	v1 =	vadd.f32 v1, v2;
	_ =	sdelay $0x1  }
0x77: {  	v0 =	vadd.f32 v0, v1;
	_ =	sdelay $0x1  }
0x78: {  	[tilespmem:$0x380] =	vst v0  }
0x79: {  	[hbm4b:s18+s2] =	stream.linear.scatter [tilespmem:s19], [sflag:$0x2], $0x80, $0x38;
	[tilespmem:$0x400] =	vst v63  }
0x7a: {  	_ =	swait.ge [sflag:s3], $0x80  }
0x7b: {  	[sflag:s3] =	ssyncset.done $0x0  }
0x7c: {  	[sflag:s3] =	ssyncadd.s32 $0xFFFFFF80  }
0x7d: {  	_ =	sfence.sel $0x180000  }
0x7e: {  	[bflag:$0x0] =	sbarrier.arrive $0xFFFF  }
0x7f: {  	p0 =	sne.s32 s0, $0x0;
	_ =	strace $0x90000047  }
0x80: {  	s0 =	sadd.s32 @!p0 $0x100000, s1;
	[bflag:$0x2] =	sbarrier.arrive $0xFFFF  }
0x81: {  	[sflag:s0] =	ssyncadd.tile.s32 @!p0 $0x1;
	_ =	shalt  }
.Lfunc_end2:
_tile_overlayer_lowered:
.L_overlay_start_2:
0x82: {  	(tag) =	ssettag $0x2  }
0x83: {  	s0 =	rddreg [dreg:$0x0];
	s2 =	stileid.u32  }
0x84: {  	s1 =	rddreg [dreg:$0x1];
	p0 =	sne.s32 s2, $0x0  }
0x85: {  	s3 =	rddreg [dreg:$0x2];
	[bflag:$0x3] =	sbarrier.arrive $0xFFFF;
	s2 =	simm.s32 @!p0 $0x1C02  }
0x86: {  	[timem:s3], [sflag:s2] =	dma.local @!p0 [hbm:s0], s1  }
0x87: {  	s0 =	simm.s32 @!p0 $0x2  }
0x88: {  	_ =	swait.ge @!p0 [sflag:s0], s1  }
0x89: {  	s1 =	ssub.s32 @!p0 $0x0, s1;
	[sflag:s0] =	ssyncset.done @!p0 $0x0  }
0x8a: {  	[sflag:s0] =	ssyncadd.s32 @!p0 s1  }
0x8b: {  	[bflag:$0x3] =	sbarrier.arrive $0xFFFF  }
0x8c: {  	_ =	shalt  }

</sc_bundles>
